<compile_context>
chip_gen: v7x
topology: tpu7x:2x2x1
jax: 0.10.2.dev20260603
libtpu: 0.0.44.dev20260713+nightly
codegen_flags: <defaults>
</compile_context>

<pallas_src>
import functools

import jax
import jax.numpy as jnp
from jax import lax
from jax.experimental import pallas as pl
from jax.experimental.pallas import tpu as pltpu
from jax.experimental.pallas import tpu_sc as plsc

N = 10000
E = 320000
NC = 2
NTILES = 16
NW = NC * NTILES
PN = 10240
OWNT = PN // NTILES
OWNTV = OWNT // 16
EPW = E // NW

_D_IN = 128
_H1 = 256
_H2 = 128


def _rsqrt16(d):
    x = jnp.maximum(d, 1.0)
    i = lax.bitcast_convert_type(x, jnp.int32)
    i = jnp.int32(0x5F3759DF) - lax.shift_right_logical(i, 1)
    y = lax.bitcast_convert_type(i, jnp.float32)
    for _ in range(3):
        y = y * (jnp.float32(1.5) - jnp.float32(0.5) * x * y * y)
    return jnp.where(d > 0.5, y, 0.0)


_MESH = plsc.VectorSubcoreMesh(
    core_axis_name="c", subcore_axis_name="s", num_cores=NC
)


def _fill(ref, nvec, val):
    v = jnp.full((16,), val, jnp.float32)

    def body(j, carry):
        ref[pl.ds(j * 16, 16)] = v
        return carry

    lax.fori_loop(0, nvec, body, 0)


@functools.partial(
    pl.kernel,
    out_type=jax.ShapeDtypeStruct((NC * PN,), jnp.float32),
    mesh=_MESH,
    scratch_types=[
        pltpu.VMEM((EPW,), jnp.int32),
        pltpu.VMEM((EPW,), jnp.float32),
        pltpu.VMEM((OWNT,), jnp.float32),
        pltpu.SemaphoreType.DMA,
        pltpu.VMEM_SHARED((PN,), jnp.float32),
    ],
)
def _sc_deg(edge_hbm, degp_hbm, dstbuf, ones, zbuf, sem, shacc):
    cid = lax.axis_index("c")
    tid = lax.axis_index("s")
    wid = tid * NC + cid
    tile_sl = pl.ds(OWNT * tid, OWNT)

    cp = pltpu.async_copy(edge_hbm.at[pl.ds(E + EPW * wid, EPW)], dstbuf, sem)
    _fill(zbuf, OWNTV, 0.0)
    pltpu.sync_copy(zbuf, shacc.at[tile_sl])
    _fill(ones, EPW // 16, 1.0)
    cp.wait()
    plsc.subcore_barrier()

    pltpu.sync_copy(ones, shacc.at[dstbuf], add=True)
    plsc.subcore_barrier()
    pltpu.sync_copy(shacc.at[tile_sl], degp_hbm.at[pl.ds(PN * cid + OWNT * tid, OWNT)])


HCH = EPW // 2


@functools.partial(
    pl.kernel,
    out_type=jax.ShapeDtypeStruct((NC * PN,), jnp.float32),
    mesh=_MESH,
    scratch_types=[
        pltpu.VMEM((HCH,), jnp.int32),
        pltpu.VMEM((HCH,), jnp.int32),
        pltpu.VMEM((HCH,), jnp.int32),
        pltpu.VMEM((HCH,), jnp.int32),
        pltpu.VMEM((HCH,), jnp.float32),
        pltpu.VMEM((HCH,), jnp.float32),
        pltpu.VMEM((OWNT,), jnp.float32),
        pltpu.VMEM((OWNT,), jnp.float32),
        pltpu.VMEM((OWNT,), jnp.float32),
        pltpu.VMEM((OWNT,), jnp.float32),
        pltpu.SemaphoreType.DMA,
        pltpu.SemaphoreType.DMA,
        pltpu.SemaphoreType.DMA,
        pltpu.VMEM_SHARED((PN,), jnp.float32),
        pltpu.VMEM_SHARED((PN,), jnp.float32),
    ],
)
def _sc_c(edge_hbm, degp_hbm, cp_hbm,
          srcA, srcB, dstA, dstB, gbufA, gbufB, p0, p1, normt, zbuf,
          sem_stage, sem_tbl, sem_g, shacc, shtab):
    cid = lax.axis_index("c")
    tid = lax.axis_index("s")
    wid = tid * NC + cid
    tile_sl = pl.ds(OWNT * tid, OWNT)
    ebase = EPW * wid

    stages = [
        pltpu.async_copy(edge_hbm.at[pl.ds(ebase, HCH)], srcA, sem_stage),
        pltpu.async_copy(edge_hbm.at[pl.ds(ebase + HCH, HCH)], srcB, sem_stage),
        pltpu.async_copy(edge_hbm.at[pl.ds(E + ebase, HCH)], dstA, sem_stage),
        pltpu.async_copy(edge_hbm.at[pl.ds(E + ebase + HCH, HCH)], dstB, sem_stage),
    ]
    tbls = [
        pltpu.async_copy(degp_hbm.at[pl.ds(OWNT * tid, OWNT)], p0, sem_tbl),
        pltpu.async_copy(degp_hbm.at[pl.ds(PN + OWNT * tid, OWNT)], p1, sem_tbl),
    ]
    _fill(zbuf, OWNTV, 0.0)
    pltpu.sync_copy(zbuf, shacc.at[tile_sl])
    for t in tbls:
        t.wait()

    def norm_body(j, carry):
        sl = pl.ds(j * 16, 16)
        normt[sl] = _rsqrt16(p0[sl] + p1[sl])
        return carry

    lax.fori_loop(0, OWNTV, norm_body, 0)
    pltpu.sync_copy(normt, shtab.at[tile_sl])
    for s_ in stages:
        s_.wait()
    plsc.subcore_barrier()

    gA = pltpu.async_copy(shtab.at[dstA], gbufA, sem_g)
    gA.wait()
    gB = pltpu.async_copy(shtab.at[dstB], gbufB, sem_g)
    pltpu.sync_copy(gbufA, shacc.at[srcA], add=True)
    gB.wait()
    pltpu.sync_copy(gbufB, shacc.at[srcB], add=True)
    plsc.subcore_barrier()
    pltpu.sync_copy(shacc.at[tile_sl], cp_hbm.at[pl.ds(PN * cid + OWNT * tid, OWNT)])


@functools.partial(
    pl.kernel,
    out_type=jax.ShapeDtypeStruct((NC * PN,), jnp.float32),
    mesh=_MESH,
    scratch_types=[
        pltpu.VMEM((HCH,), jnp.int32),
        pltpu.VMEM((HCH,), jnp.int32),
        pltpu.VMEM((HCH,), jnp.int32),
        pltpu.VMEM((HCH,), jnp.int32),
        pltpu.VMEM((HCH,), jnp.float32),
        pltpu.VMEM((HCH,), jnp.float32),
        pltpu.VMEM((OWNT,), jnp.float32),
        pltpu.VMEM((OWNT,), jnp.float32),
        pltpu.VMEM((OWNT,), jnp.float32),
        pltpu.VMEM((OWNT,), jnp.float32),
        pltpu.SemaphoreType.DMA,
        pltpu.SemaphoreType.DMA,
        pltpu.SemaphoreType.DMA,
        pltpu.VMEM_SHARED((PN,), jnp.float32),
        pltpu.VMEM_SHARED((PN,), jnp.float32),
    ],
)
def _sc_w(edge_hbm, degp_hbm, cp_hbm, wp_hbm,
          srcA, srcB, dstA, dstB, gbufA, gbufB, p0, p1, tbuf, zbuf,
          sem_stage, sem_tbl, sem_g, shacc, shtab):
    cid = lax.axis_index("c")
    tid = lax.axis_index("s")
    wid = tid * NC + cid
    tile_sl = pl.ds(OWNT * tid, OWNT)
    ebase = EPW * wid

    stages = [
        pltpu.async_copy(edge_hbm.at[pl.ds(ebase, HCH)], srcA, sem_stage),
        pltpu.async_copy(edge_hbm.at[pl.ds(ebase + HCH, HCH)], srcB, sem_stage),
        pltpu.async_copy(edge_hbm.at[pl.ds(E + ebase, HCH)], dstA, sem_stage),
        pltpu.async_copy(edge_hbm.at[pl.ds(E + ebase + HCH, HCH)], dstB, sem_stage),
    ]
    dtbls = [
        pltpu.async_copy(degp_hbm.at[pl.ds(OWNT * tid, OWNT)], p0, sem_tbl),
        pltpu.async_copy(degp_hbm.at[pl.ds(PN + OWNT * tid, OWNT)], p1, sem_tbl),
    ]
    for t in dtbls:
        t.wait()

    def norm_body(j, carry):
        sl = pl.ds(j * 16, 16)
        zbuf[sl] = _rsqrt16(p0[sl] + p1[sl])
        return carry

    lax.fori_loop(0, OWNTV, norm_body, 0)
    ctbls = [
        pltpu.async_copy(cp_hbm.at[pl.ds(OWNT * tid, OWNT)], p0, sem_tbl),
        pltpu.async_copy(cp_hbm.at[pl.ds(PN + OWNT * tid, OWNT)], p1, sem_tbl),
    ]
    for t in ctbls:
        t.wait()

    def t_body(j, carry):
        sl = pl.ds(j * 16, 16)
        nrm = zbuf[sl]
        tbuf[sl] = nrm * nrm * (p0[sl] + p1[sl])
        return carry

    lax.fori_loop(0, OWNTV, t_body, 0)
    pltpu.sync_copy(tbuf, shtab.at[tile_sl])
    _fill(zbuf, OWNTV, 0.0)
    pltpu.sync_copy(zbuf, shacc.at[tile_sl])
    for s_ in stages:
        s_.wait()
    plsc.subcore_barrier()

    gA = pltpu.async_copy(shtab.at[dstA], gbufA, sem_g)
    gA.wait()
    gB = pltpu.async_copy(shtab.at[dstB], gbufB, sem_g)
    pltpu.sync_copy(gbufA, shacc.at[srcA], add=True)
    gB.wait()
    pltpu.sync_copy(gbufB, shacc.at[srcB], add=True)
    plsc.subcore_barrier()
    pltpu.sync_copy(shacc.at[tile_sl], wp_hbm.at[pl.ds(PN * cid + OWNT * tid, OWNT)])


def _tc_body(x_ref, degp_ref, cp_ref, wp_ref, w1_ref, b1_ref, w2_ref, b2_ref,
             o_ref):
    degp = degp_ref[...].reshape(NC, PN)
    cp = cp_ref[...].reshape(NC, PN)
    wp = wp_ref[...].reshape(NC, PN)
    deg = degp[0] + degp[1]
    norm = jnp.where(deg > 0, lax.rsqrt(jnp.maximum(deg, 1.0)), 0.0)
    u = norm * (cp[0] + cp[1])
    w = norm * (wp[0] + wp[1])
    wrow = w.reshape(1, PN)[:, :N]
    r = lax.dot_general(
        wrow, x_ref[...], (((1,), (0,)), ((), ())),
        precision=lax.Precision.HIGHEST,
        preferred_element_type=jnp.float32,
    )
    s = jnp.sum(u)
    g = lax.dot_general(
        r, w1_ref[...], (((1,), (0,)), ((), ())),
        precision=lax.Precision.HIGHEST,
        preferred_element_type=jnp.float32,
    ) + s * b1_ref[...].reshape(1, _H1)
    o_ref[...] = lax.dot_general(
        g, w2_ref[...], (((1,), (0,)), ((), ())),
        precision=lax.Precision.HIGHEST,
        preferred_element_type=jnp.float32,
    ) + jnp.float32(N) * b2_ref[...].reshape(1, _H2)


_tc_head = pl.pallas_call(
    _tc_body,
    out_shape=jax.ShapeDtypeStruct((1, _H2), jnp.float32),
)


def kernel(x, edge_index, W1, b1, W2, b2):
    ef = edge_index.reshape(-1)
    degp = _sc_deg(ef)
    cp = _sc_c(ef, degp)
    wp = _sc_w(ef, degp, cp)
    return _tc_head(x, degp, cp, wp, W1, b1, W2, b2)

# --- scband reference (transcript-rebuilt; emitter-appended) ---
"""Pipeline reference for scband-gcnmodel-vae-19653770346662 (READ-ONLY COPY).

The authoritative reference and input builder live on the scoring server;
editing this copy changes nothing except your own understanding.
"""

import jax, jax.numpy as jnp
import numpy as np

N = 10000
E = 320000
D_IN = 128
H1 = 256
H2 = 128


def setup_inputs(seed: int = 0) -> dict:
    key = jax.random.key(seed)
    k1, k2, k3, k4, k5, k6 = jax.random.split(key, 6)
    x = jax.random.normal(k1, (N, D_IN), dtype=jnp.float32)
    edge_index = jax.random.randint(k2, (2, E), 0, N, dtype=jnp.int32)
    W1 = jax.random.normal(k3, (D_IN, H1), dtype=jnp.float32) * (1.0 / np.sqrt(D_IN))
    b1 = jnp.zeros((H1,), dtype=jnp.float32)
    W2 = jax.random.normal(k4, (H1, H2), dtype=jnp.float32) * (1.0 / np.sqrt(H1))
    b2 = jnp.zeros((H2,), dtype=jnp.float32)
    return {"x": x, "edge_index": edge_index, "W1": W1, "b1": b1, "W2": W2, "b2": b2}


def _gcn_layer(h, src, dst, W, b, n):
    # DGL GraphConv with norm='both': h' = D^{-1/2} A D^{-1/2} h W + b
    deg = jnp.zeros((n,), dtype=h.dtype).at[dst].add(1.0)
    norm = jnp.where(deg > 0, jax.lax.rsqrt(jnp.maximum(deg, 1.0)), 0.0)
    h = h * norm[:, None]
    msg = jnp.take(h, src, axis=0)
    agg = jnp.zeros((n, h.shape[1]), dtype=h.dtype).at[dst].add(msg)
    agg = agg * norm[:, None]
    return agg @ W + b


def reference(x, edge_index, W1, b1, W2, b2):
    src = edge_index[0]
    dst = edge_index[1]
    n = x.shape[0]
    z = _gcn_layer(x, src, dst, W1, b1, n)
    z = _gcn_layer(z, src, dst, W2, b2, n)
    # aggregation_function='sum' -> dgl.sum_nodes over the (single) graph
    return jnp.sum(z, axis=0, keepdims=True)

if __name__ == "__main__":
    import jax
    _d = setup_inputs()
    print(jax.jit(kernel)(*tuple(_d.values())))

</pallas_src>

<mosaic_0001>
#map = affine_map<(d0, d1) -> (0)>
module attributes {stable_mosaic.version = 14 : i64} {
  func.func @_sc_deg(%arg0: i32, %arg1: i32, %arg2: memref<640000xi32, #tpu.memory_space<hbm>>, %arg3: memref<20480xf32, #tpu.memory_space<hbm>>, %arg4: memref<10000xi32, #tpu.memory_space<vmem>>, %arg5: memref<10000xf32, #tpu.memory_space<vmem>>, %arg6: memref<640xf32, #tpu.memory_space<vmem>>, %arg7: memref<!tpu.dma_semaphore, #tpu.memory_space<semaphore_mem>>, %arg8: memref<10240xf32, #tpu.memory_space<vmem_shared>>) attributes {dimension_semantics = [#tpu.dimension_semantics<core_parallel>, #tpu.dimension_semantics<subcore_parallel>], iteration_bounds = array<i64: 2, 16>, scalar_prefetch = 0 : i64, scratch_operands = 5 : i64, tpu.core_type = #tpu.core_type<sc_vector_subcore>, window_params = [{transform_indices = #map}, {transform_indices = #map}]} {
    %mul3A = arith.constant 2 : i32
    %mul3A_0 = arith.muli %arg1, %mul3A : i32
    %add3A = arith.addi %mul3A_0, %arg0 : i32
    %mul3A_1 = arith.constant 640 : i32
    %mul3A_2 = arith.muli %mul3A_1, %arg1 : i32
    %mul3A_3 = arith.constant 10000 : i32
    %mul3A_4 = arith.muli %mul3A_3, %add3A : i32
    %add3A_5 = arith.constant 320000 : i32
    %add3A_6 = arith.addi %add3A_5, %mul3A_4 : i32
    %dma_start3A = tpu.memref_slice %arg2[%add3A_6] : memref<640000xi32, #tpu.memory_space<hbm>> -> memref<10000xi32, #tpu.memory_space<hbm>>
    %dma_start3A_7 = tpu.memref_slice %arg2[%add3A_6] : memref<640000xi32, #tpu.memory_space<hbm>> -> memref<10000xi32, #tpu.memory_space<hbm>>
    tpu.enqueue_dma source(%dma_start3A_7 : memref<10000xi32, #tpu.memory_space<hbm>>) target(%arg4 : memref<10000xi32, #tpu.memory_space<vmem>>) target_semaphore(%arg7 : memref<!tpu.dma_semaphore, #tpu.memory_space<semaphore_mem>>)
    %broadcast_in_dim3A = arith.constant 0.000000e+00 : f32
    %broadcast_in_dim3A_8 = vector.broadcast %broadcast_in_dim3A : f32 to vector<16xf32>
    %scan3A = arith.constant 0 : i32
    %scan3A_9 = arith.constant 0 : i32
    %scan3A_10 = arith.constant 40 : i32
    %scan3A_11 = arith.addi %scan3A_9, %scan3A_10 : i32
    %scan3A_12 = arith.constant 1 : i32
    scf.for %scan3A_29 = %scan3A_9 to %scan3A_11 step %scan3A_12  : i32 {
      %mul3A_30 = arith.constant 16 : i32
      %mul3A_31 = arith.muli %scan3A_29, %mul3A_30 : i32
      %swap3A = arith.index_cast %mul3A_31 : i32 to index
      %swap3A_32 = tpu.vector_load %arg6[%swap3A] {strides = array<i32>} : memref<640xf32, #tpu.memory_space<vmem>>, vector<16xf32>,
      %swap3A_33 = vector.shape_cast %swap3A_32 : vector<16xf32> to vector<16xf32>
      %swap3A_34 = vector.shape_cast %broadcast_in_dim3A_8 : vector<16xf32> to vector<16xf32>
      tpu.vector_store %arg6[%swap3A], %swap3A_34 {strides = array<i32>} : memref<640xf32, #tpu.memory_space<vmem>>, vector<16xf32>,
    }
    %scan3A_13 = arith.constant 40 : i32
    "tpu.region"() ({
      %run_scoped3A = tpu.sem_alloc : memref<!tpu.dma_semaphore, #tpu.memory_space<semaphore_mem>>
      %dma_start3A_29 = tpu.memref_slice %arg8[%mul3A_2] : memref<10240xf32, #tpu.memory_space<vmem_shared>> -> memref<640xf32, #tpu.memory_space<vmem_shared>>
      %dma_start3A_30 = tpu.memref_slice %arg8[%mul3A_2] : memref<10240xf32, #tpu.memory_space<vmem_shared>> -> memref<640xf32, #tpu.memory_space<vmem_shared>>
      tpu.enqueue_dma source(%arg6 : memref<640xf32, #tpu.memory_space<vmem>>) target(%dma_start3A_30 : memref<640xf32, #tpu.memory_space<vmem_shared>>) target_semaphore(%run_scoped3A : memref<!tpu.dma_semaphore, #tpu.memory_space<semaphore_mem>>)
      %dma_wait3A_31 = tpu.memref_slice %arg8[%mul3A_2] : memref<10240xf32, #tpu.memory_space<vmem_shared>> -> memref<640xf32, #tpu.memory_space<vmem_shared>>
      %dma_wait3A_32 = tpu.memref_slice %arg8[%mul3A_2] : memref<10240xf32, #tpu.memory_space<vmem_shared>> -> memref<640xf32, #tpu.memory_space<vmem_shared>>
      tpu.wait_dma2 semaphore(%run_scoped3A : memref<!tpu.dma_semaphore, #tpu.memory_space<semaphore_mem>>) src(%arg6 : memref<640xf32, #tpu.memory_space<vmem>>) dst(%dma_wait3A_32 : memref<640xf32, #tpu.memory_space<vmem_shared>>)
      tpu.yield
    }) : () -> ()
    %broadcast_in_dim3A_14 = arith.constant 1.000000e+00 : f32
    %broadcast_in_dim3A_15 = vector.broadcast %broadcast_in_dim3A_14 : f32 to vector<16xf32>
    %scan3A_16 = arith.constant 0 : i32
    %scan3A_17 = arith.constant 0 : i32
    %scan3A_18 = arith.constant 625 : i32
    %scan3A_19 = arith.addi %scan3A_17, %scan3A_18 : i32
    %scan3A_20 = arith.constant 1 : i32
    scf.for %scan3A_29 = %scan3A_17 to %scan3A_19 step %scan3A_20  : i32 {
      %mul3A_30 = arith.constant 16 : i32
      %mul3A_31 = arith.muli %scan3A_29, %mul3A_30 : i32
      %swap3A = arith.index_cast %mul3A_31 : i32 to index
      %swap3A_32 = tpu.vector_load %arg5[%swap3A] {strides = array<i32>} : memref<10000xf32, #tpu.memory_space<vmem>>, vector<16xf32>,
      %swap3A_33 = vector.shape_cast %swap3A_32 : vector<16xf32> to vector<16xf32>
      %swap3A_34 = vector.shape_cast %broadcast_in_dim3A_15 : vector<16xf32> to vector<16xf32>
      tpu.vector_store %arg5[%swap3A], %swap3A_34 {strides = array<i32>} : memref<10000xf32, #tpu.memory_space<vmem>>, vector<16xf32>,
    }
    %scan3A_21 = arith.constant 625 : i32
    %dma_wait3A = tpu.memref_slice %arg2[%add3A_6] : memref<640000xi32, #tpu.memory_space<hbm>> -> memref<10000xi32, #tpu.memory_space<hbm>>
    %dma_wait3A_22 = tpu.memref_slice %arg2[%add3A_6] : memref<640000xi32, #tpu.memory_space<hbm>> -> memref<10000xi32, #tpu.memory_space<hbm>>
    tpu.wait_dma2 semaphore(%arg7 : memref<!tpu.dma_semaphore, #tpu.memory_space<semaphore_mem>>) src(%dma_wait3A_22 : memref<10000xi32, #tpu.memory_space<hbm>>) dst(%arg4 : memref<10000xi32, #tpu.memory_space<vmem>>)
    %barrier3A = arith.constant 0 : index
    tpu.barrier barrier_id(%barrier3A)
    "tpu.region"() ({
      %run_scoped3A = tpu.sem_alloc : memref<!tpu.dma_semaphore, #tpu.memory_space<semaphore_mem>>
      %dma_start3A_29 = arith.constant 0 : i32
      %dma_start3A_30 = tpu.memref_slice %arg8[%dma_start3A_29] : memref<10240xf32, #tpu.memory_space<vmem_shared>> -> memref<10240xf32, #tpu.memory_space<vmem_shared>>
      tpu.enqueue_indirect_dma source(%arg5 : memref<10000xf32, #tpu.memory_space<vmem>>) target(%dma_start3A_30 : memref<10240xf32, #tpu.memory_space<vmem_shared>>) offsets(%arg4 : memref<10000xi32, #tpu.memory_space<vmem>>) semaphore(%run_scoped3A : memref<!tpu.dma_semaphore, #tpu.memory_space<semaphore_mem>>) {add = true}
      %dma_wait3A_31 = arith.constant 0 : i32
      %dma_wait3A_32 = tpu.memref_slice %arg8[%dma_wait3A_31] : memref<10240xf32, #tpu.memory_space<vmem_shared>> -> memref<10240xf32, #tpu.memory_space<vmem_shared>>
      tpu.wait_indirect_dma semaphore(%run_scoped3A : memref<!tpu.dma_semaphore, #tpu.memory_space<semaphore_mem>>) src(%arg5 : memref<10000xf32, #tpu.memory_space<vmem>>) dst(%dma_wait3A_32 : memref<10240xf32, #tpu.memory_space<vmem_shared>>)
      tpu.yield
    }) : () -> ()
    %barrier3A_23 = arith.constant 0 : index
    tpu.barrier barrier_id(%barrier3A_23)
    %mul3A_24 = arith.constant 10240 : i32
    %mul3A_25 = arith.muli %mul3A_24, %arg0 : i32
    %mul3A_26 = arith.constant 640 : i32
    %mul3A_27 = arith.muli %mul3A_26, %arg1 : i32
    %add3A_28 = arith.addi %mul3A_25, %mul3A_27 : i32
    "tpu.region"() ({
      %run_scoped3A = tpu.sem_alloc : memref<!tpu.dma_semaphore, #tpu.memory_space<semaphore_mem>>
      %dma_start3A_29 = tpu.memref_slice %arg3[%add3A_28] : memref<20480xf32, #tpu.memory_space<hbm>> -> memref<640xf32, #tpu.memory_space<hbm>>
      %dma_start3A_30 = tpu.memref_slice %arg8[%mul3A_2] : memref<10240xf32, #tpu.memory_space<vmem_shared>> -> memref<640xf32, #tpu.memory_space<vmem_shared>>
      tpu.enqueue_dma source(%dma_start3A_30 : memref<640xf32, #tpu.memory_space<vmem_shared>>) target(%dma_start3A_29 : memref<640xf32, #tpu.memory_space<hbm>>) target_semaphore(%run_scoped3A : memref<!tpu.dma_semaphore, #tpu.memory_space<semaphore_mem>>)
      %dma_wait3A_31 = tpu.memref_slice %arg3[%add3A_28] : memref<20480xf32, #tpu.memory_space<hbm>> -> memref<640xf32, #tpu.memory_space<hbm>>
      %dma_wait3A_32 = tpu.memref_slice %arg8[%mul3A_2] : memref<10240xf32, #tpu.memory_space<vmem_shared>> -> memref<640xf32, #tpu.memory_space<vmem_shared>>
      tpu.wait_dma2 semaphore(%run_scoped3A : memref<!tpu.dma_semaphore, #tpu.memory_space<semaphore_mem>>) src(%dma_wait3A_32 : memref<640xf32, #tpu.memory_space<vmem_shared>>) dst(%dma_wait3A_31 : memref<640xf32, #tpu.memory_space<hbm>>)
      tpu.yield
    }) : () -> ()
    return
  }
}

#map = affine_map<(d0, d1) -> (0)>
module attributes {stable_mosaic.version = 14 : i64} {
  func.func @_sc_w(%arg0: i32, %arg1: i32, %arg2: memref<640000xi32, #tpu.memory_space<hbm>>, %arg3: memref<20480xf32, #tpu.memory_space<hbm>>, %arg4: memref<20480xf32, #tpu.memory_space<hbm>>, %arg5: memref<20480xf32, #tpu.memory_space<hbm>>, %arg6: memref<5000xi32, #tpu.memory_space<vmem>>, %arg7: memref<5000xi32, #tpu.memory_space<vmem>>, %arg8: memref<5000xi32, #tpu.memory_space<vmem>>, %arg9: memref<5000xi32, #tpu.memory_space<vmem>>, %arg10: memref<5000xf32, #tpu.memory_space<vmem>>, %arg11: memref<5000xf32, #tpu.memory_space<vmem>>, %arg12: memref<640xf32, #tpu.memory_space<vmem>>, %arg13: memref<640xf32, #tpu.memory_space<vmem>>, %arg14: memref<640xf32, #tpu.memory_space<vmem>>, %arg15: memref<640xf32, #tpu.memory_space<vmem>>, %arg16: memref<!tpu.dma_semaphore, #tpu.memory_space<semaphore_mem>>, %arg17: memref<!tpu.dma_semaphore, #tpu.memory_space<semaphore_mem>>, %arg18: memref<!tpu.dma_semaphore, #tpu.memory_space<semaphore_mem>>, %arg19: memref<10240xf32, #tpu.memory_space<vmem_shared>>, %arg20: memref<10240xf32, #tpu.memory_space<vmem_shared>>) attributes {dimension_semantics = [#tpu.dimension_semantics<core_parallel>, #tpu.dimension_semantics<subcore_parallel>], iteration_bounds = array<i64: 2, 16>, scalar_prefetch = 0 : i64, scratch_operands = 15 : i64, tpu.core_type = #tpu.core_type<sc_vector_subcore>, window_params = [{transform_indices = #map}, {transform_indices = #map}, {transform_indices = #map}, {transform_indices = #map}]} {
    %mul3A = arith.constant 2 : i32
    %mul3A_0 = arith.muli %arg1, %mul3A : i32
    %add3A = arith.addi %mul3A_0, %arg0 : i32
    %mul3A_1 = arith.constant 640 : i32
    %mul3A_2 = arith.muli %mul3A_1, %arg1 : i32
    %mul3A_3 = arith.constant 10000 : i32
    %mul3A_4 = arith.muli %mul3A_3, %add3A : i32
    %dma_start3A = tpu.memref_slice %arg2[%mul3A_4] : memref<640000xi32, #tpu.memory_space<hbm>> -> memref<5000xi32, #tpu.memory_space<hbm>>
    %dma_start3A_5 = tpu.memref_slice %arg2[%mul3A_4] : memref<640000xi32, #tpu.memory_space<hbm>> -> memref<5000xi32, #tpu.memory_space<hbm>>
    tpu.enqueue_dma source(%dma_start3A_5 : memref<5000xi32, #tpu.memory_space<hbm>>) target(%arg6 : memref<5000xi32, #tpu.memory_space<vmem>>) target_semaphore(%arg16 : memref<!tpu.dma_semaphore, #tpu.memory_space<semaphore_mem>>)
    %add3A_6 = arith.constant 5000 : i32
    %add3A_7 = arith.addi %mul3A_4, %add3A_6 : i32
    %dma_start3A_8 = tpu.memref_slice %arg2[%add3A_7] : memref<640000xi32, #tpu.memory_space<hbm>> -> memref<5000xi32, #tpu.memory_space<hbm>>
    %dma_start3A_9 = tpu.memref_slice %arg2[%add3A_7] : memref<640000xi32, #tpu.memory_space<hbm>> -> memref<5000xi32, #tpu.memory_space<hbm>>
    tpu.enqueue_dma source(%dma_start3A_9 : memref<5000xi32, #tpu.memory_space<hbm>>) target(%arg7 : memref<5000xi32, #tpu.memory_space<vmem>>) target_semaphore(%arg16 : memref<!tpu.dma_semaphore, #tpu.memory_space<semaphore_mem>>)
    %add3A_10 = arith.constant 320000 : i32
    %add3A_11 = arith.addi %add3A_10, %mul3A_4 : i32
    %dma_start3A_12 = tpu.memref_slice %arg2[%add3A_11] : memref<640000xi32, #tpu.memory_space<hbm>> -> memref<5000xi32, #tpu.memory_space<hbm>>
    %dma_start3A_13 = tpu.memref_slice %arg2[%add3A_11] : memref<640000xi32, #tpu.memory_space<hbm>> -> memref<5000xi32, #tpu.memory_space<hbm>>
    tpu.enqueue_dma source(%dma_start3A_13 : memref<5000xi32, #tpu.memory_space<hbm>>) target(%arg8 : memref<5000xi32, #tpu.memory_space<vmem>>) target_semaphore(%arg16 : memref<!tpu.dma_semaphore, #tpu.memory_space<semaphore_mem>>)
    %add3A_14 = arith.constant 320000 : i32
    %add3A_15 = arith.addi %add3A_14, %mul3A_4 : i32
    %add3A_16 = arith.constant 5000 : i32
    %add3A_17 = arith.addi %add3A_15, %add3A_16 : i32
    %dma_start3A_18 = tpu.memref_slice %arg2[%add3A_17] : memref<640000xi32, #tpu.memory_space<hbm>> -> memref<5000xi32, #tpu.memory_space<hbm>>
    %dma_start3A_19 = tpu.memref_slice %arg2[%add3A_17] : memref<640000xi32, #tpu.memory_space<hbm>> -> memref<5000xi32, #tpu.memory_space<hbm>>
    tpu.enqueue_dma source(%dma_start3A_19 : memref<5000xi32, #tpu.memory_space<hbm>>) target(%arg9 : memref<5000xi32, #tpu.memory_space<vmem>>) target_semaphore(%arg16 : memref<!tpu.dma_semaphore, #tpu.memory_space<semaphore_mem>>)
    %mul3A_20 = arith.constant 640 : i32
    %mul3A_21 = arith.muli %mul3A_20, %arg1 : i32
    %dma_start3A_22 = tpu.memref_slice %arg3[%mul3A_21] : memref<20480xf32, #tpu.memory_space<hbm>> -> memref<640xf32, #tpu.memory_space<hbm>>
    %dma_start3A_23 = tpu.memref_slice %arg3[%mul3A_21] : memref<20480xf32, #tpu.memory_space<hbm>> -> memref<640xf32, #tpu.memory_space<hbm>>
    tpu.enqueue_dma source(%dma_start3A_23 : memref<640xf32, #tpu.memory_space<hbm>>) target(%arg12 : memref<640xf32, #tpu.memory_space<vmem>>) target_semaphore(%arg17 : memref<!tpu.dma_semaphore, #tpu.memory_space<semaphore_mem>>)
    %mul3A_24 = arith.constant 640 : i32
    %mul3A_25 = arith.muli %mul3A_24, %arg1 : i32
    %add3A_26 = arith.constant 10240 : i32
    %add3A_27 = arith.addi %add3A_26, %mul3A_25 : i32
    %dma_start3A_28 = tpu.memref_slice %arg3[%add3A_27] : memref<20480xf32, #tpu.memory_space<hbm>> -> memref<640xf32, #tpu.memory_space<hbm>>
    %dma_start3A_29 = tpu.memref_slice %arg3[%add3A_27] : memref<20480xf32, #tpu.memory_space<hbm>> -> memref<640xf32, #tpu.memory_space<hbm>>
    tpu.enqueue_dma source(%dma_start3A_29 : memref<640xf32, #tpu.memory_space<hbm>>) target(%arg13 : memref<640xf32, #tpu.memory_space<vmem>>) target_semaphore(%arg17 : memref<!tpu.dma_semaphore, #tpu.memory_space<semaphore_mem>>)
    %dma_wait3A = tpu.memref_slice %arg3[%mul3A_21] : memref<20480xf32, #tpu.memory_space<hbm>> -> memref<640xf32, #tpu.memory_space<hbm>>
    %dma_wait3A_30 = tpu.memref_slice %arg3[%mul3A_21] : memref<20480xf32, #tpu.memory_space<hbm>> -> memref<640xf32, #tpu.memory_space<hbm>>
    tpu.wait_dma2 semaphore(%arg17 : memref<!tpu.dma_semaphore, #tpu.memory_space<semaphore_mem>>) src(%dma_wait3A_30 : memref<640xf32, #tpu.memory_space<hbm>>) dst(%arg12 : memref<640xf32, #tpu.memory_space<vmem>>)
    %dma_wait3A_31 = tpu.memref_slice %arg3[%add3A_27] : memref<20480xf32, #tpu.memory_space<hbm>> -> memref<640xf32, #tpu.memory_space<hbm>>
    %dma_wait3A_32 = tpu.memref_slice %arg3[%add3A_27] : memref<20480xf32, #tpu.memory_space<hbm>> -> memref<640xf32, #tpu.memory_space<hbm>>
    tpu.wait_dma2 semaphore(%arg17 : memref<!tpu.dma_semaphore, #tpu.memory_space<semaphore_mem>>) src(%dma_wait3A_32 : memref<640xf32, #tpu.memory_space<hbm>>) dst(%arg13 : memref<640xf32, #tpu.memory_space<vmem>>)
    %scan3A = arith.constant 0 : i32
    %scan3A_33 = arith.constant 0 : i32
    %scan3A_34 = arith.constant 40 : i32
    %scan3A_35 = arith.addi %scan3A_33, %scan3A_34 : i32
    %scan3A_36 = arith.constant 1 : i32
    scf.for %scan3A_87 = %scan3A_33 to %scan3A_35 step %scan3A_36  : i32 {
      %mul3A_88 = arith.constant 16 : i32
      %mul3A_89 = arith.muli %scan3A_87, %mul3A_88 : i32
      %get3A = arith.index_cast %mul3A_89 : i32 to index
      %get3A_90 = tpu.vector_load %arg12[%get3A] {strides = array<i32>} : memref<640xf32, #tpu.memory_space<vmem>>, vector<16xf32>,
      %get3A_91 = vector.shape_cast %get3A_90 : vector<16xf32> to vector<16xf32>
      %get3A_92 = arith.index_cast %mul3A_89 : i32 to index
      %get3A_93 = tpu.vector_load %arg13[%get3A_92] {strides = array<i32>} : memref<640xf32, #tpu.memory_space<vmem>>, vector<16xf32>,
      %get3A_94 = vector.shape_cast %get3A_93 : vector<16xf32> to vector<16xf32>
      %add3A_95 = arith.addf %get3A_91, %get3A_94 : vector<16xf32>
      %max3A = arith.constant 1.000000e+00 : f32
      %max3A_96 = vector.broadcast %max3A : f32 to vector<16xf32>
      %max3A_97 = arith.maximumf %add3A_95, %max3A_96 : vector<16xf32>
      %bitcast_convert_type3A = tpu.bitcast %max3A_97 : vector<16xf32> -> vector<16xi32>
      %shift_right_logical3A = arith.constant 1 : i32
      %shift_right_logical3A_98 = vector.broadcast %shift_right_logical3A : i32 to vector<16xi32>
      %shift_right_logical3A_99 = arith.shrui %bitcast_convert_type3A, %shift_right_logical3A_98 : vector<16xi32>
      %sub3A = arith.constant 1597463007 : i32
      %sub3A_100 = vector.broadcast %sub3A : i32 to vector<16xi32>
      %sub3A_101 = arith.subi %sub3A_100, %shift_right_logical3A_99 : vector<16xi32>
      %bitcast_convert_type3A_102 = tpu.bitcast %sub3A_101 : vector<16xi32> -> vector<16xf32>
      %mul3A_103 = arith.constant 5.000000e-01 : f32
      %mul3A_104 = vector.broadcast %mul3A_103 : f32 to vector<16xf32>
      %mul3A_105 = arith.mulf %mul3A_104, %max3A_97 : vector<16xf32>
      %mul3A_106 = arith.mulf %mul3A_105, %bitcast_convert_type3A_102 : vector<16xf32>
      %mul3A_107 = arith.mulf %mul3A_106, %bitcast_convert_type3A_102 : vector<16xf32>
      %sub3A_108 = arith.constant 1.500000e+00 : f32
      %sub3A_109 = vector.broadcast %sub3A_108 : f32 to vector<16xf32>
      %sub3A_110 = arith.subf %sub3A_109, %mul3A_107 : vector<16xf32>
      %mul3A_111 = arith.mulf %bitcast_convert_type3A_102, %sub3A_110 : vector<16xf32>
      %mul3A_112 = arith.constant 5.000000e-01 : f32
      %mul3A_113 = vector.broadcast %mul3A_112 : f32 to vector<16xf32>
      %mul3A_114 = arith.mulf %mul3A_113, %max3A_97 : vector<16xf32>
      %mul3A_115 = arith.mulf %mul3A_114, %mul3A_111 : vector<16xf32>
      %mul3A_116 = arith.mulf %mul3A_115, %mul3A_111 : vector<16xf32>
      %sub3A_117 = arith.constant 1.500000e+00 : f32
      %sub3A_118 = vector.broadcast %sub3A_117 : f32 to vector<16xf32>
      %sub3A_119 = arith.subf %sub3A_118, %mul3A_116 : vector<16xf32>
      %mul3A_120 = arith.mulf %mul3A_111, %sub3A_119 : vector<16xf32>
      %mul3A_121 = arith.constant 5.000000e-01 : f32
      %mul3A_122 = vector.broadcast %mul3A_121 : f32 to vector<16xf32>
      %mul3A_123 = arith.mulf %mul3A_122, %max3A_97 : vector<16xf32>
      %mul3A_124 = arith.mulf %mul3A_123, %mul3A_120 : vector<16xf32>
      %mul3A_125 = arith.mulf %mul3A_124, %mul3A_120 : vector<16xf32>
      %sub3A_126 = arith.constant 1.500000e+00 : f32
      %sub3A_127 = vector.broadcast %sub3A_126 : f32 to vector<16xf32>
      %sub3A_128 = arith.subf %sub3A_127, %mul3A_125 : vector<16xf32>
      %mul3A_129 = arith.mulf %mul3A_120, %sub3A_128 : vector<16xf32>
      %gt3A = arith.constant 5.000000e-01 : f32
      %gt3A_130 = vector.broadcast %gt3A : f32 to vector<16xf32>
      %gt3A_131 = arith.cmpf ogt, %add3A_95, %gt3A_130 : vector<16xf32>
      %jit3A = arith.constant 0.000000e+00 : f32
      %broadcast_in_dim3A_132 = vector.broadcast %jit3A : f32 to vector<16xf32>
      %select_n3A = arith.select %gt3A_131, %mul3A_129, %broadcast_in_dim3A_132 : vector<16xi1>, vector<16xf32>
      %swap3A = arith.index_cast %mul3A_89 : i32 to index
      %swap3A_133 = tpu.vector_load %arg15[%swap3A] {strides = array<i32>} : memref<640xf32, #tpu.memory_space<vmem>>, vector<16xf32>,
      %swap3A_134 = vector.shape_cast %swap3A_133 : vector<16xf32> to vector<16xf32>
      %swap3A_135 = vector.shape_cast %select_n3A : vector<16xf32> to vector<16xf32>
      tpu.vector_store %arg15[%swap3A], %swap3A_135 {strides = array<i32>} : memref<640xf32, #tpu.memory_space<vmem>>, vector<16xf32>,
    }
    %scan3A_37 = arith.constant 40 : i32
    %mul3A_38 = arith.constant 640 : i32
    %mul3A_39 = arith.muli %mul3A_38, %arg1 : i32
    %dma_start3A_40 = tpu.memref_slice %arg4[%mul3A_39] : memref<20480xf32, #tpu.memory_space<hbm>> -> memref<640xf32, #tpu.memory_space<hbm>>
    %dma_start3A_41 = tpu.memref_slice %arg4[%mul3A_39] : memref<20480xf32, #tpu.memory_space<hbm>> -> memref<640xf32, #tpu.memory_space<hbm>>
    tpu.enqueue_dma source(%dma_start3A_41 : memref<640xf32, #tpu.memory_space<hbm>>) target(%arg12 : memref<640xf32, #tpu.memory_space<vmem>>) target_semaphore(%arg17 : memref<!tpu.dma_semaphore, #tpu.memory_space<semaphore_mem>>)
    %mul3A_42 = arith.constant 640 : i32
    %mul3A_43 = arith.muli %mul3A_42, %arg1 : i32
    %add3A_44 = arith.constant 10240 : i32
    %add3A_45 = arith.addi %add3A_44, %mul3A_43 : i32
    %dma_start3A_46 = tpu.memref_slice %arg4[%add3A_45] : memref<20480xf32, #tpu.memory_space<hbm>> -> memref<640xf32, #tpu.memory_space<hbm>>
    %dma_start3A_47 = tpu.memref_slice %arg4[%add3A_45] : memref<20480xf32, #tpu.memory_space<hbm>> -> memref<640xf32, #tpu.memory_space<hbm>>
    tpu.enqueue_dma source(%dma_start3A_47 : memref<640xf32, #tpu.memory_space<hbm>>) target(%arg13 : memref<640xf32, #tpu.memory_space<vmem>>) target_semaphore(%arg17 : memref<!tpu.dma_semaphore, #tpu.memory_space<semaphore_mem>>)
    %dma_wait3A_48 = tpu.memref_slice %arg4[%mul3A_39] : memref<20480xf32, #tpu.memory_space<hbm>> -> memref<640xf32, #tpu.memory_space<hbm>>
    %dma_wait3A_49 = tpu.memref_slice %arg4[%mul3A_39] : memref<20480xf32, #tpu.memory_space<hbm>> -> memref<640xf32, #tpu.memory_space<hbm>>
    tpu.wait_dma2 semaphore(%arg17 : memref<!tpu.dma_semaphore, #tpu.memory_space<semaphore_mem>>) src(%dma_wait3A_49 : memref<640xf32, #tpu.memory_space<hbm>>) dst(%arg12 : memref<640xf32, #tpu.memory_space<vmem>>)
    %dma_wait3A_50 = tpu.memref_slice %arg4[%add3A_45] : memref<20480xf32, #tpu.memory_space<hbm>> -> memref<640xf32, #tpu.memory_space<hbm>>
    %dma_wait3A_51 = tpu.memref_slice %arg4[%add3A_45] : memref<20480xf32, #tpu.memory_space<hbm>> -> memref<640xf32, #tpu.memory_space<hbm>>
    tpu.wait_dma2 semaphore(%arg17 : memref<!tpu.dma_semaphore, #tpu.memory_space<semaphore_mem>>) src(%dma_wait3A_51 : memref<640xf32, #tpu.memory_space<hbm>>) dst(%arg13 : memref<640xf32, #tpu.memory_space<vmem>>)
    %scan3A_52 = arith.constant 0 : i32
    %scan3A_53 = arith.constant 0 : i32
    %scan3A_54 = arith.constant 40 : i32
    %scan3A_55 = arith.addi %scan3A_53, %scan3A_54 : i32
    %scan3A_56 = arith.constant 1 : i32
    scf.for %scan3A_87 = %scan3A_53 to %scan3A_55 step %scan3A_56  : i32 {
      %mul3A_88 = arith.constant 16 : i32
      %mul3A_89 = arith.muli %scan3A_87, %mul3A_88 : i32
      %get3A = arith.index_cast %mul3A_89 : i32 to index
      %get3A_90 = tpu.vector_load %arg15[%get3A] {strides = array<i32>} : memref<640xf32, #tpu.memory_space<vmem>>, vector<16xf32>,
      %get3A_91 = vector.shape_cast %get3A_90 : vector<16xf32> to vector<16xf32>
      %mul3A_92 = arith.mulf %get3A_91, %get3A_91 : vector<16xf32>
      %get3A_93 = arith.index_cast %mul3A_89 : i32 to index
      %get3A_94 = tpu.vector_load %arg12[%get3A_93] {strides = array<i32>} : memref<640xf32, #tpu.memory_space<vmem>>, vector<16xf32>,
      %get3A_95 = vector.shape_cast %get3A_94 : vector<16xf32> to vector<16xf32>
      %get3A_96 = arith.index_cast %mul3A_89 : i32 to index
      %get3A_97 = tpu.vector_load %arg13[%get3A_96] {strides = array<i32>} : memref<640xf32, #tpu.memory_space<vmem>>, vector<16xf32>,
      %get3A_98 = vector.shape_cast %get3A_97 : vector<16xf32> to vector<16xf32>
      %add3A_99 = arith.addf %get3A_95, %get3A_98 : vector<16xf32>
      %mul3A_100 = arith.mulf %mul3A_92, %add3A_99 : vector<16xf32>
      %swap3A = arith.index_cast %mul3A_89 : i32 to index
      %swap3A_101 = tpu.vector_load %arg14[%swap3A] {strides = array<i32>} : memref<640xf32, #tpu.memory_space<vmem>>, vector<16xf32>,
      %swap3A_102 = vector.shape_cast %swap3A_101 : vector<16xf32> to vector<16xf32>
      %swap3A_103 = vector.shape_cast %mul3A_100 : vector<16xf32> to vector<16xf32>
      tpu.vector_store %arg14[%swap3A], %swap3A_103 {strides = array<i32>} : memref<640xf32, #tpu.memory_space<vmem>>, vector<16xf32>,
    }
    %scan3A_57 = arith.constant 40 : i32
    "tpu.region"() ({
      %run_scoped3A = tpu.sem_alloc : memref<!tpu.dma_semaphore, #tpu.memory_space<semaphore_mem>>
      %dma_start3A_87 = tpu.memref_slice %arg20[%mul3A_2] : memref<10240xf32, #tpu.memory_space<vmem_shared>> -> memref<640xf32, #tpu.memory_space<vmem_shared>>
      %dma_start3A_88 = tpu.memref_slice %arg20[%mul3A_2] : memref<10240xf32, #tpu.memory_space<vmem_shared>> -> memref<640xf32, #tpu.memory_space<vmem_shared>>
      tpu.enqueue_dma source(%arg14 : memref<640xf32, #tpu.memory_space<vmem>>) target(%dma_start3A_88 : memref<640xf32, #tpu.memory_space<vmem_shared>>) target_semaphore(%run_scoped3A : memref<!tpu.dma_semaphore, #tpu.memory_space<semaphore_mem>>)
      %dma_wait3A_89 = tpu.memref_slice %arg20[%mul3A_2] : memref<10240xf32, #tpu.memory_space<vmem_shared>> -> memref<640xf32, #tpu.memory_space<vmem_shared>>
      %dma_wait3A_90 = tpu.memref_slice %arg20[%mul3A_2] : memref<10240xf32, #tpu.memory_space<vmem_shared>> -> memref<640xf32, #tpu.memory_space<vmem_shared>>
      tpu.wait_dma2 semaphore(%run_scoped3A : memref<!tpu.dma_semaphore, #tpu.memory_space<semaphore_mem>>) src(%arg14 : memref<640xf32, #tpu.memory_space<vmem>>) dst(%dma_wait3A_90 : memref<640xf32, #tpu.memory_space<vmem_shared>>)
      tpu.yield
    }) : () -> ()
    %broadcast_in_dim3A = arith.constant 0.000000e+00 : f32
    %broadcast_in_dim3A_58 = vector.broadcast %broadcast_in_dim3A : f32 to vector<16xf32>
    %scan3A_59 = arith.constant 0 : i32
    %scan3A_60 = arith.constant 0 : i32
    %scan3A_61 = arith.constant 40 : i32
    %scan3A_62 = arith.addi %scan3A_60, %scan3A_61 : i32
    %scan3A_63 = arith.constant 1 : i32
    scf.for %scan3A_87 = %scan3A_60 to %scan3A_62 step %scan3A_63  : i32 {
      %mul3A_88 = arith.constant 16 : i32
      %mul3A_89 = arith.muli %scan3A_87, %mul3A_88 : i32
      %swap3A = arith.index_cast %mul3A_89 : i32 to index
      %swap3A_90 = tpu.vector_load %arg15[%swap3A] {strides = array<i32>} : memref<640xf32, #tpu.memory_space<vmem>>, vector<16xf32>,
      %swap3A_91 = vector.shape_cast %swap3A_90 : vector<16xf32> to vector<16xf32>
      %swap3A_92 = vector.shape_cast %broadcast_in_dim3A_58 : vector<16xf32> to vector<16xf32>
      tpu.vector_store %arg15[%swap3A], %swap3A_92 {strides = array<i32>} : memref<640xf32, #tpu.memory_space<vmem>>, vector<16xf32>,
    }
    %scan3A_64 = arith.constant 40 : i32
    "tpu.region"() ({
      %run_scoped3A = tpu.sem_alloc : memref<!tpu.dma_semaphore, #tpu.memory_space<semaphore_mem>>
      %dma_start3A_87 = tpu.memref_slice %arg19[%mul3A_2] : memref<10240xf32, #tpu.memory_space<vmem_shared>> -> memref<640xf32, #tpu.memory_space<vmem_shared>>
      %dma_start3A_88 = tpu.memref_slice %arg19[%mul3A_2] : memref<10240xf32, #tpu.memory_space<vmem_shared>> -> memref<640xf32, #tpu.memory_space<vmem_shared>>
      tpu.enqueue_dma source(%arg15 : memref<640xf32, #tpu.memory_space<vmem>>) target(%dma_start3A_88 : memref<640xf32, #tpu.memory_space<vmem_shared>>) target_semaphore(%run_scoped3A : memref<!tpu.dma_semaphore, #tpu.memory_space<semaphore_mem>>)
      %dma_wait3A_89 = tpu.memref_slice %arg19[%mul3A_2] : memref<10240xf32, #tpu.memory_space<vmem_shared>> -> memref<640xf32, #tpu.memory_space<vmem_shared>>
      %dma_wait3A_90 = tpu.memref_slice %arg19[%mul3A_2] : memref<10240xf32, #tpu.memory_space<vmem_shared>> -> memref<640xf32, #tpu.memory_space<vmem_shared>>
      tpu.wait_dma2 semaphore(%run_scoped3A : memref<!tpu.dma_semaphore, #tpu.memory_space<semaphore_mem>>) src(%arg15 : memref<640xf32, #tpu.memory_space<vmem>>) dst(%dma_wait3A_90 : memref<640xf32, #tpu.memory_space<vmem_shared>>)
      tpu.yield
    }) : () -> ()
    %dma_wait3A_65 = tpu.memref_slice %arg2[%mul3A_4] : memref<640000xi32, #tpu.memory_space<hbm>> -> memref<5000xi32, #tpu.memory_space<hbm>>
    %dma_wait3A_66 = tpu.memref_slice %arg2[%mul3A_4] : memref<640000xi32, #tpu.memory_space<hbm>> -> memref<5000xi32, #tpu.memory_space<hbm>>
    tpu.wait_dma2 semaphore(%arg16 : memref<!tpu.dma_semaphore, #tpu.memory_space<semaphore_mem>>) src(%dma_wait3A_66 : memref<5000xi32, #tpu.memory_space<hbm>>) dst(%arg6 : memref<5000xi32, #tpu.memory_space<vmem>>)
    %dma_wait3A_67 = tpu.memref_slice %arg2[%add3A_7] : memref<640000xi32, #tpu.memory_space<hbm>> -> memref<5000xi32, #tpu.memory_space<hbm>>
    %dma_wait3A_68 = tpu.memref_slice %arg2[%add3A_7] : memref<640000xi32, #tpu.memory_space<hbm>> -> memref<5000xi32, #tpu.memory_space<hbm>>
    tpu.wait_dma2 semaphore(%arg16 : memref<!tpu.dma_semaphore, #tpu.memory_space<semaphore_mem>>) src(%dma_wait3A_68 : memref<5000xi32, #tpu.memory_space<hbm>>) dst(%arg7 : memref<5000xi32, #tpu.memory_space<vmem>>)
    %dma_wait3A_69 = tpu.memref_slice %arg2[%add3A_11] : memref<640000xi32, #tpu.memory_space<hbm>> -> memref<5000xi32, #tpu.memory_space<hbm>>
    %dma_wait3A_70 = tpu.memref_slice %arg2[%add3A_11] : memref<640000xi32, #tpu.memory_space<hbm>> -> memref<5000xi32, #tpu.memory_space<hbm>>
    tpu.wait_dma2 semaphore(%arg16 : memref<!tpu.dma_semaphore, #tpu.memory_space<semaphore_mem>>) src(%dma_wait3A_70 : memref<5000xi32, #tpu.memory_space<hbm>>) dst(%arg8 : memref<5000xi32, #tpu.memory_space<vmem>>)
    %dma_wait3A_71 = tpu.memref_slice %arg2[%add3A_17] : memref<640000xi32, #tpu.memory_space<hbm>> -> memref<5000xi32, #tpu.memory_space<hbm>>
    %dma_wait3A_72 = tpu.memref_slice %arg2[%add3A_17] : memref<640000xi32, #tpu.memory_space<hbm>> -> memref<5000xi32, #tpu.memory_space<hbm>>
    tpu.wait_dma2 semaphore(%arg16 : memref<!tpu.dma_semaphore, #tpu.memory_space<semaphore_mem>>) src(%dma_wait3A_72 : memref<5000xi32, #tpu.memory_space<hbm>>) dst(%arg9 : memref<5000xi32, #tpu.memory_space<vmem>>)
    %barrier3A = arith.constant 0 : index
    tpu.barrier barrier_id(%barrier3A)
    %dma_start3A_73 = arith.constant 0 : i32
    %dma_start3A_74 = tpu.memref_slice %arg20[%dma_start3A_73] : memref<10240xf32, #tpu.memory_space<vmem_shared>> -> memref<10240xf32, #tpu.memory_space<vmem_shared>>
    tpu.enqueue_indirect_dma source(%dma_start3A_74 : memref<10240xf32, #tpu.memory_space<vmem_shared>>) target(%arg10 : memref<5000xf32, #tpu.memory_space<vmem>>) offsets(%arg8 : memref<5000xi32, #tpu.memory_space<vmem>>) semaphore(%arg18 : memref<!tpu.dma_semaphore, #tpu.memory_space<semaphore_mem>>)
    %dma_wait3A_75 = arith.constant 0 : i32
    %dma_wait3A_76 = tpu.memref_slice %arg20[%dma_wait3A_75] : memref<10240xf32, #tpu.memory_space<vmem_shared>> -> memref<10240xf32, #tpu.memory_space<vmem_shared>>
    tpu.wait_indirect_dma semaphore(%arg18 : memref<!tpu.dma_semaphore, #tpu.memory_space<semaphore_mem>>) src(%dma_wait3A_76 : memref<10240xf32, #tpu.memory_space<vmem_shared>>) dst(%arg10 : memref<5000xf32, #tpu.memory_space<vmem>>)
    %dma_start3A_77 = arith.constant 0 : i32
    %dma_start3A_78 = tpu.memref_slice %arg20[%dma_start3A_77] : memref<10240xf32, #tpu.memory_space<vmem_shared>> -> memref<10240xf32, #tpu.memory_space<vmem_shared>>
    tpu.enqueue_indirect_dma source(%dma_start3A_78 : memref<10240xf32, #tpu.memory_space<vmem_shared>>) target(%arg11 : memref<5000xf32, #tpu.memory_space<vmem>>) offsets(%arg9 : memref<5000xi32, #tpu.memory_space<vmem>>) semaphore(%arg18 : memref<!tpu.dma_semaphore, #tpu.memory_space<semaphore_mem>>)
    "tpu.region"() ({
      %run_scoped3A = tpu.sem_alloc : memref<!tpu.dma_semaphore, #tpu.memory_space<semaphore_mem>>
      %dma_start3A_87 = arith.constant 0 : i32
      %dma_start3A_88 = tpu.memref_slice %arg19[%dma_start3A_87] : memref<10240xf32, #tpu.memory_space<vmem_shared>> -> memref<10240xf32, #tpu.memory_space<vmem_shared>>
      tpu.enqueue_indirect_dma source(%arg10 : memref<5000xf32, #tpu.memory_space<vmem>>) target(%dma_start3A_88 : memref<10240xf32, #tpu.memory_space<vmem_shared>>) offsets(%arg6 : memref<5000xi32, #tpu.memory_space<vmem>>) semaphore(%run_scoped3A : memref<!tpu.dma_semaphore, #tpu.memory_space<semaphore_mem>>) {add = true}
      %dma_wait3A_89 = arith.constant 0 : i32
      %dma_wait3A_90 = tpu.memref_slice %arg19[%dma_wait3A_89] : memref<10240xf32, #tpu.memory_space<vmem_shared>> -> memref<10240xf32, #tpu.memory_space<vmem_shared>>
      tpu.wait_indirect_dma semaphore(%run_scoped3A : memref<!tpu.dma_semaphore, #tpu.memory_space<semaphore_mem>>) src(%arg10 : memref<5000xf32, #tpu.memory_space<vmem>>) dst(%dma_wait3A_90 : memref<10240xf32, #tpu.memory_space<vmem_shared>>)
      tpu.yield
    }) : () -> ()
    %dma_wait3A_79 = arith.constant 0 : i32
    %dma_wait3A_80 = tpu.memref_slice %arg20[%dma_wait3A_79] : memref<10240xf32, #tpu.memory_space<vmem_shared>> -> memref<10240xf32, #tpu.memory_space<vmem_shared>>
    tpu.wait_indirect_dma semaphore(%arg18 : memref<!tpu.dma_semaphore, #tpu.memory_space<semaphore_mem>>) src(%dma_wait3A_80 : memref<10240xf32, #tpu.memory_space<vmem_shared>>) dst(%arg11 : memref<5000xf32, #tpu.memory_space<vmem>>)
    "tpu.region"() ({
      %run_scoped3A = tpu.sem_alloc : memref<!tpu.dma_semaphore, #tpu.memory_space<semaphore_mem>>
      %dma_start3A_87 = arith.constant 0 : i32
      %dma_start3A_88 = tpu.memref_slice %arg19[%dma_start3A_87] : memref<10240xf32, #tpu.memory_space<vmem_shared>> -> memref<10240xf32, #tpu.memory_space<vmem_shared>>
      tpu.enqueue_indirect_dma source(%arg11 : memref<5000xf32, #tpu.memory_space<vmem>>) target(%dma_start3A_88 : memref<10240xf32, #tpu.memory_space<vmem_shared>>) offsets(%arg7 : memref<5000xi32, #tpu.memory_space<vmem>>) semaphore(%run_scoped3A : memref<!tpu.dma_semaphore, #tpu.memory_space<semaphore_mem>>) {add = true}
      %dma_wait3A_89 = arith.constant 0 : i32
      %dma_wait3A_90 = tpu.memref_slice %arg19[%dma_wait3A_89] : memref<10240xf32, #tpu.memory_space<vmem_shared>> -> memref<10240xf32, #tpu.memory_space<vmem_shared>>
      tpu.wait_indirect_dma semaphore(%run_scoped3A : memref<!tpu.dma_semaphore, #tpu.memory_space<semaphore_mem>>) src(%arg11 : memref<5000xf32, #tpu.memory_space<vmem>>) dst(%dma_wait3A_90 : memref<10240xf32, #tpu.memory_space<vmem_shared>>)
      tpu.yield
    }) : () -> ()
    %barrier3A_81 = arith.constant 0 : index
    tpu.barrier barrier_id(%barrier3A_81)
    %mul3A_82 = arith.constant 10240 : i32
    %mul3A_83 = arith.muli %mul3A_82, %arg0 : i32
    %mul3A_84 = arith.constant 640 : i32
    %mul3A_85 = arith.muli %mul3A_84, %arg1 : i32
    %add3A_86 = arith.addi %mul3A_83, %mul3A_85 : i32
    "tpu.region"() ({
      %run_scoped3A = tpu.sem_alloc : memref<!tpu.dma_semaphore, #tpu.memory_space<semaphore_mem>>
      %dma_start3A_87 = tpu.memref_slice %arg5[%add3A_86] : memref<20480xf32, #tpu.memory_space<hbm>> -> memref<640xf32, #tpu.memory_space<hbm>>
      %dma_start3A_88 = tpu.memref_slice %arg19[%mul3A_2] : memref<10240xf32, #tpu.memory_space<vmem_shared>> -> memref<640xf32, #tpu.memory_space<vmem_shared>>
      tpu.enqueue_dma source(%dma_start3A_88 : memref<640xf32, #tpu.memory_space<vmem_shared>>) target(%dma_start3A_87 : memref<640xf32, #tpu.memory_space<hbm>>) target_semaphore(%run_scoped3A : memref<!tpu.dma_semaphore, #tpu.memory_space<semaphore_mem>>)
      %dma_wait3A_89 = tpu.memref_slice %arg5[%add3A_86] : memref<20480xf32, #tpu.memory_space<hbm>> -> memref<640xf32, #tpu.memory_space<hbm>>
      %dma_wait3A_90 = tpu.memref_slice %arg19[%mul3A_2] : memref<10240xf32, #tpu.memory_space<vmem_shared>> -> memref<640xf32, #tpu.memory_space<vmem_shared>>
      tpu.wait_dma2 semaphore(%run_scoped3A : memref<!tpu.dma_semaphore, #tpu.memory_space<semaphore_mem>>) src(%dma_wait3A_90 : memref<640xf32, #tpu.memory_space<vmem_shared>>) dst(%dma_wait3A_89 : memref<640xf32, #tpu.memory_space<hbm>>)
      tpu.yield
    }) : () -> ()
    return
  }
}

#map = affine_map<(d0, d1) -> (0)>
module attributes {stable_mosaic.version = 14 : i64} {
  func.func @_sc_c(%arg0: i32, %arg1: i32, %arg2: memref<640000xi32, #tpu.memory_space<hbm>>, %arg3: memref<20480xf32, #tpu.memory_space<hbm>>, %arg4: memref<20480xf32, #tpu.memory_space<hbm>>, %arg5: memref<5000xi32, #tpu.memory_space<vmem>>, %arg6: memref<5000xi32, #tpu.memory_space<vmem>>, %arg7: memref<5000xi32, #tpu.memory_space<vmem>>, %arg8: memref<5000xi32, #tpu.memory_space<vmem>>, %arg9: memref<5000xf32, #tpu.memory_space<vmem>>, %arg10: memref<5000xf32, #tpu.memory_space<vmem>>, %arg11: memref<640xf32, #tpu.memory_space<vmem>>, %arg12: memref<640xf32, #tpu.memory_space<vmem>>, %arg13: memref<640xf32, #tpu.memory_space<vmem>>, %arg14: memref<640xf32, #tpu.memory_space<vmem>>, %arg15: memref<!tpu.dma_semaphore, #tpu.memory_space<semaphore_mem>>, %arg16: memref<!tpu.dma_semaphore, #tpu.memory_space<semaphore_mem>>, %arg17: memref<!tpu.dma_semaphore, #tpu.memory_space<semaphore_mem>>, %arg18: memref<10240xf32, #tpu.memory_space<vmem_shared>>, %arg19: memref<10240xf32, #tpu.memory_space<vmem_shared>>) attributes {dimension_semantics = [#tpu.dimension_semantics<core_parallel>, #tpu.dimension_semantics<subcore_parallel>], iteration_bounds = array<i64: 2, 16>, scalar_prefetch = 0 : i64, scratch_operands = 15 : i64, tpu.core_type = #tpu.core_type<sc_vector_subcore>, window_params = [{transform_indices = #map}, {transform_indices = #map}, {transform_indices = #map}]} {
    %mul3A = arith.constant 2 : i32
    %mul3A_0 = arith.muli %arg1, %mul3A : i32
    %add3A = arith.addi %mul3A_0, %arg0 : i32
    %mul3A_1 = arith.constant 640 : i32
    %mul3A_2 = arith.muli %mul3A_1, %arg1 : i32
    %mul3A_3 = arith.constant 10000 : i32
    %mul3A_4 = arith.muli %mul3A_3, %add3A : i32
    %dma_start3A = tpu.memref_slice %arg2[%mul3A_4] : memref<640000xi32, #tpu.memory_space<hbm>> -> memref<5000xi32, #tpu.memory_space<hbm>>
    %dma_start3A_5 = tpu.memref_slice %arg2[%mul3A_4] : memref<640000xi32, #tpu.memory_space<hbm>> -> memref<5000xi32, #tpu.memory_space<hbm>>
    tpu.enqueue_dma source(%dma_start3A_5 : memref<5000xi32, #tpu.memory_space<hbm>>) target(%arg5 : memref<5000xi32, #tpu.memory_space<vmem>>) target_semaphore(%arg15 : memref<!tpu.dma_semaphore, #tpu.memory_space<semaphore_mem>>)
    %add3A_6 = arith.constant 5000 : i32
    %add3A_7 = arith.addi %mul3A_4, %add3A_6 : i32
    %dma_start3A_8 = tpu.memref_slice %arg2[%add3A_7] : memref<640000xi32, #tpu.memory_space<hbm>> -> memref<5000xi32, #tpu.memory_space<hbm>>
    %dma_start3A_9 = tpu.memref_slice %arg2[%add3A_7] : memref<640000xi32, #tpu.memory_space<hbm>> -> memref<5000xi32, #tpu.memory_space<hbm>>
    tpu.enqueue_dma source(%dma_start3A_9 : memref<5000xi32, #tpu.memory_space<hbm>>) target(%arg6 : memref<5000xi32, #tpu.memory_space<vmem>>) target_semaphore(%arg15 : memref<!tpu.dma_semaphore, #tpu.memory_space<semaphore_mem>>)
    %add3A_10 = arith.constant 320000 : i32
    %add3A_11 = arith.addi %add3A_10, %mul3A_4 : i32
    %dma_start3A_12 = tpu.memref_slice %arg2[%add3A_11] : memref<640000xi32, #tpu.memory_space<hbm>> -> memref<5000xi32, #tpu.memory_space<hbm>>
    %dma_start3A_13 = tpu.memref_slice %arg2[%add3A_11] : memref<640000xi32, #tpu.memory_space<hbm>> -> memref<5000xi32, #tpu.memory_space<hbm>>
    tpu.enqueue_dma source(%dma_start3A_13 : memref<5000xi32, #tpu.memory_space<hbm>>) target(%arg7 : memref<5000xi32, #tpu.memory_space<vmem>>) target_semaphore(%arg15 : memref<!tpu.dma_semaphore, #tpu.memory_space<semaphore_mem>>)
    %add3A_14 = arith.constant 320000 : i32
    %add3A_15 = arith.addi %add3A_14, %mul3A_4 : i32
    %add3A_16 = arith.constant 5000 : i32
    %add3A_17 = arith.addi %add3A_15, %add3A_16 : i32
    %dma_start3A_18 = tpu.memref_slice %arg2[%add3A_17] : memref<640000xi32, #tpu.memory_space<hbm>> -> memref<5000xi32, #tpu.memory_space<hbm>>
    %dma_start3A_19 = tpu.memref_slice %arg2[%add3A_17] : memref<640000xi32, #tpu.memory_space<hbm>> -> memref<5000xi32, #tpu.memory_space<hbm>>
    tpu.enqueue_dma source(%dma_start3A_19 : memref<5000xi32, #tpu.memory_space<hbm>>) target(%arg8 : memref<5000xi32, #tpu.memory_space<vmem>>) target_semaphore(%arg15 : memref<!tpu.dma_semaphore, #tpu.memory_space<semaphore_mem>>)
    %mul3A_20 = arith.constant 640 : i32
    %mul3A_21 = arith.muli %mul3A_20, %arg1 : i32
    %dma_start3A_22 = tpu.memref_slice %arg3[%mul3A_21] : memref<20480xf32, #tpu.memory_space<hbm>> -> memref<640xf32, #tpu.memory_space<hbm>>
    %dma_start3A_23 = tpu.memref_slice %arg3[%mul3A_21] : memref<20480xf32, #tpu.memory_space<hbm>> -> memref<640xf32, #tpu.memory_space<hbm>>
    tpu.enqueue_dma source(%dma_start3A_23 : memref<640xf32, #tpu.memory_space<hbm>>) target(%arg11 : memref<640xf32, #tpu.memory_space<vmem>>) target_semaphore(%arg16 : memref<!tpu.dma_semaphore, #tpu.memory_space<semaphore_mem>>)
    %mul3A_24 = arith.constant 640 : i32
    %mul3A_25 = arith.muli %mul3A_24, %arg1 : i32
    %add3A_26 = arith.constant 10240 : i32
    %add3A_27 = arith.addi %add3A_26, %mul3A_25 : i32
    %dma_start3A_28 = tpu.memref_slice %arg3[%add3A_27] : memref<20480xf32, #tpu.memory_space<hbm>> -> memref<640xf32, #tpu.memory_space<hbm>>
    %dma_start3A_29 = tpu.memref_slice %arg3[%add3A_27] : memref<20480xf32, #tpu.memory_space<hbm>> -> memref<640xf32, #tpu.memory_space<hbm>>
    tpu.enqueue_dma source(%dma_start3A_29 : memref<640xf32, #tpu.memory_space<hbm>>) target(%arg12 : memref<640xf32, #tpu.memory_space<vmem>>) target_semaphore(%arg16 : memref<!tpu.dma_semaphore, #tpu.memory_space<semaphore_mem>>)
    %broadcast_in_dim3A = arith.constant 0.000000e+00 : f32
    %broadcast_in_dim3A_30 = vector.broadcast %broadcast_in_dim3A : f32 to vector<16xf32>
    %scan3A = arith.constant 0 : i32
    %scan3A_31 = arith.constant 0 : i32
    %scan3A_32 = arith.constant 40 : i32
    %scan3A_33 = arith.addi %scan3A_31, %scan3A_32 : i32
    %scan3A_34 = arith.constant 1 : i32
    scf.for %scan3A_67 = %scan3A_31 to %scan3A_33 step %scan3A_34  : i32 {
      %mul3A_68 = arith.constant 16 : i32
      %mul3A_69 = arith.muli %scan3A_67, %mul3A_68 : i32
      %swap3A = arith.index_cast %mul3A_69 : i32 to index
      %swap3A_70 = tpu.vector_load %arg14[%swap3A] {strides = array<i32>} : memref<640xf32, #tpu.memory_space<vmem>>, vector<16xf32>,
      %swap3A_71 = vector.shape_cast %swap3A_70 : vector<16xf32> to vector<16xf32>
      %swap3A_72 = vector.shape_cast %broadcast_in_dim3A_30 : vector<16xf32> to vector<16xf32>
      tpu.vector_store %arg14[%swap3A], %swap3A_72 {strides = array<i32>} : memref<640xf32, #tpu.memory_space<vmem>>, vector<16xf32>,
    }
    %scan3A_35 = arith.constant 40 : i32
    "tpu.region"() ({
      %run_scoped3A = tpu.sem_alloc : memref<!tpu.dma_semaphore, #tpu.memory_space<semaphore_mem>>
      %dma_start3A_67 = tpu.memref_slice %arg18[%mul3A_2] : memref<10240xf32, #tpu.memory_space<vmem_shared>> -> memref<640xf32, #tpu.memory_space<vmem_shared>>
      %dma_start3A_68 = tpu.memref_slice %arg18[%mul3A_2] : memref<10240xf32, #tpu.memory_space<vmem_shared>> -> memref<640xf32, #tpu.memory_space<vmem_shared>>
      tpu.enqueue_dma source(%arg14 : memref<640xf32, #tpu.memory_space<vmem>>) target(%dma_start3A_68 : memref<640xf32, #tpu.memory_space<vmem_shared>>) target_semaphore(%run_scoped3A : memref<!tpu.dma_semaphore, #tpu.memory_space<semaphore_mem>>)
      %dma_wait3A_69 = tpu.memref_slice %arg18[%mul3A_2] : memref<10240xf32, #tpu.memory_space<vmem_shared>> -> memref<640xf32, #tpu.memory_space<vmem_shared>>
      %dma_wait3A_70 = tpu.memref_slice %arg18[%mul3A_2] : memref<10240xf32, #tpu.memory_space<vmem_shared>> -> memref<640xf32, #tpu.memory_space<vmem_shared>>
      tpu.wait_dma2 semaphore(%run_scoped3A : memref<!tpu.dma_semaphore, #tpu.memory_space<semaphore_mem>>) src(%arg14 : memref<640xf32, #tpu.memory_space<vmem>>) dst(%dma_wait3A_70 : memref<640xf32, #tpu.memory_space<vmem_shared>>)
      tpu.yield
    }) : () -> ()
    %dma_wait3A = tpu.memref_slice %arg3[%mul3A_21] : memref<20480xf32, #tpu.memory_space<hbm>> -> memref<640xf32, #tpu.memory_space<hbm>>
    %dma_wait3A_36 = tpu.memref_slice %arg3[%mul3A_21] : memref<20480xf32, #tpu.memory_space<hbm>> -> memref<640xf32, #tpu.memory_space<hbm>>
    tpu.wait_dma2 semaphore(%arg16 : memref<!tpu.dma_semaphore, #tpu.memory_space<semaphore_mem>>) src(%dma_wait3A_36 : memref<640xf32, #tpu.memory_space<hbm>>) dst(%arg11 : memref<640xf32, #tpu.memory_space<vmem>>)
    %dma_wait3A_37 = tpu.memref_slice %arg3[%add3A_27] : memref<20480xf32, #tpu.memory_space<hbm>> -> memref<640xf32, #tpu.memory_space<hbm>>
    %dma_wait3A_38 = tpu.memref_slice %arg3[%add3A_27] : memref<20480xf32, #tpu.memory_space<hbm>> -> memref<640xf32, #tpu.memory_space<hbm>>
    tpu.wait_dma2 semaphore(%arg16 : memref<!tpu.dma_semaphore, #tpu.memory_space<semaphore_mem>>) src(%dma_wait3A_38 : memref<640xf32, #tpu.memory_space<hbm>>) dst(%arg12 : memref<640xf32, #tpu.memory_space<vmem>>)
    %scan3A_39 = arith.constant 0 : i32
    %scan3A_40 = arith.constant 0 : i32
    %scan3A_41 = arith.constant 40 : i32
    %scan3A_42 = arith.addi %scan3A_40, %scan3A_41 : i32
    %scan3A_43 = arith.constant 1 : i32
    scf.for %scan3A_67 = %scan3A_40 to %scan3A_42 step %scan3A_43  : i32 {
      %mul3A_68 = arith.constant 16 : i32
      %mul3A_69 = arith.muli %scan3A_67, %mul3A_68 : i32
      %get3A = arith.index_cast %mul3A_69 : i32 to index
      %get3A_70 = tpu.vector_load %arg11[%get3A] {strides = array<i32>} : memref<640xf32, #tpu.memory_space<vmem>>, vector<16xf32>,
      %get3A_71 = vector.shape_cast %get3A_70 : vector<16xf32> to vector<16xf32>
      %get3A_72 = arith.index_cast %mul3A_69 : i32 to index
      %get3A_73 = tpu.vector_load %arg12[%get3A_72] {strides = array<i32>} : memref<640xf32, #tpu.memory_space<vmem>>, vector<16xf32>,
      %get3A_74 = vector.shape_cast %get3A_73 : vector<16xf32> to vector<16xf32>
      %add3A_75 = arith.addf %get3A_71, %get3A_74 : vector<16xf32>
      %max3A = arith.constant 1.000000e+00 : f32
      %max3A_76 = vector.broadcast %max3A : f32 to vector<16xf32>
      %max3A_77 = arith.maximumf %add3A_75, %max3A_76 : vector<16xf32>
      %bitcast_convert_type3A = tpu.bitcast %max3A_77 : vector<16xf32> -> vector<16xi32>
      %shift_right_logical3A = arith.constant 1 : i32
      %shift_right_logical3A_78 = vector.broadcast %shift_right_logical3A : i32 to vector<16xi32>
      %shift_right_logical3A_79 = arith.shrui %bitcast_convert_type3A, %shift_right_logical3A_78 : vector<16xi32>
      %sub3A = arith.constant 1597463007 : i32
      %sub3A_80 = vector.broadcast %sub3A : i32 to vector<16xi32>
      %sub3A_81 = arith.subi %sub3A_80, %shift_right_logical3A_79 : vector<16xi32>
      %bitcast_convert_type3A_82 = tpu.bitcast %sub3A_81 : vector<16xi32> -> vector<16xf32>
      %mul3A_83 = arith.constant 5.000000e-01 : f32
      %mul3A_84 = vector.broadcast %mul3A_83 : f32 to vector<16xf32>
      %mul3A_85 = arith.mulf %mul3A_84, %max3A_77 : vector<16xf32>
      %mul3A_86 = arith.mulf %mul3A_85, %bitcast_convert_type3A_82 : vector<16xf32>
      %mul3A_87 = arith.mulf %mul3A_86, %bitcast_convert_type3A_82 : vector<16xf32>
      %sub3A_88 = arith.constant 1.500000e+00 : f32
      %sub3A_89 = vector.broadcast %sub3A_88 : f32 to vector<16xf32>
      %sub3A_90 = arith.subf %sub3A_89, %mul3A_87 : vector<16xf32>
      %mul3A_91 = arith.mulf %bitcast_convert_type3A_82, %sub3A_90 : vector<16xf32>
      %mul3A_92 = arith.constant 5.000000e-01 : f32
      %mul3A_93 = vector.broadcast %mul3A_92 : f32 to vector<16xf32>
      %mul3A_94 = arith.mulf %mul3A_93, %max3A_77 : vector<16xf32>
      %mul3A_95 = arith.mulf %mul3A_94, %mul3A_91 : vector<16xf32>
      %mul3A_96 = arith.mulf %mul3A_95, %mul3A_91 : vector<16xf32>
      %sub3A_97 = arith.constant 1.500000e+00 : f32
      %sub3A_98 = vector.broadcast %sub3A_97 : f32 to vector<16xf32>
      %sub3A_99 = arith.subf %sub3A_98, %mul3A_96 : vector<16xf32>
      %mul3A_100 = arith.mulf %mul3A_91, %sub3A_99 : vector<16xf32>
      %mul3A_101 = arith.constant 5.000000e-01 : f32
      %mul3A_102 = vector.broadcast %mul3A_101 : f32 to vector<16xf32>
      %mul3A_103 = arith.mulf %mul3A_102, %max3A_77 : vector<16xf32>
      %mul3A_104 = arith.mulf %mul3A_103, %mul3A_100 : vector<16xf32>
      %mul3A_105 = arith.mulf %mul3A_104, %mul3A_100 : vector<16xf32>
      %sub3A_106 = arith.constant 1.500000e+00 : f32
      %sub3A_107 = vector.broadcast %sub3A_106 : f32 to vector<16xf32>
      %sub3A_108 = arith.subf %sub3A_107, %mul3A_105 : vector<16xf32>
      %mul3A_109 = arith.mulf %mul3A_100, %sub3A_108 : vector<16xf32>
      %gt3A = arith.constant 5.000000e-01 : f32
      %gt3A_110 = vector.broadcast %gt3A : f32 to vector<16xf32>
      %gt3A_111 = arith.cmpf ogt, %add3A_75, %gt3A_110 : vector<16xf32>
      %jit3A = arith.constant 0.000000e+00 : f32
      %broadcast_in_dim3A_112 = vector.broadcast %jit3A : f32 to vector<16xf32>
      %select_n3A = arith.select %gt3A_111, %mul3A_109, %broadcast_in_dim3A_112 : vector<16xi1>, vector<16xf32>
      %swap3A = arith.index_cast %mul3A_69 : i32 to index
      %swap3A_113 = tpu.vector_load %arg13[%swap3A] {strides = array<i32>} : memref<640xf32, #tpu.memory_space<vmem>>, vector<16xf32>,
      %swap3A_114 = vector.shape_cast %swap3A_113 : vector<16xf32> to vector<16xf32>
      %swap3A_115 = vector.shape_cast %select_n3A : vector<16xf32> to vector<16xf32>
      tpu.vector_store %arg13[%swap3A], %swap3A_115 {strides = array<i32>} : memref<640xf32, #tpu.memory_space<vmem>>, vector<16xf32>,
    }
    %scan3A_44 = arith.constant 40 : i32
    "tpu.region"() ({
      %run_scoped3A = tpu.sem_alloc : memref<!tpu.dma_semaphore, #tpu.memory_space<semaphore_mem>>
      %dma_start3A_67 = tpu.memref_slice %arg19[%mul3A_2] : memref<10240xf32, #tpu.memory_space<vmem_shared>> -> memref<640xf32, #tpu.memory_space<vmem_shared>>
      %dma_start3A_68 = tpu.memref_slice %arg19[%mul3A_2] : memref<10240xf32, #tpu.memory_space<vmem_shared>> -> memref<640xf32, #tpu.memory_space<vmem_shared>>
      tpu.enqueue_dma source(%arg13 : memref<640xf32, #tpu.memory_space<vmem>>) target(%dma_start3A_68 : memref<640xf32, #tpu.memory_space<vmem_shared>>) target_semaphore(%run_scoped3A : memref<!tpu.dma_semaphore, #tpu.memory_space<semaphore_mem>>)
      %dma_wait3A_69 = tpu.memref_slice %arg19[%mul3A_2] : memref<10240xf32, #tpu.memory_space<vmem_shared>> -> memref<640xf32, #tpu.memory_space<vmem_shared>>
      %dma_wait3A_70 = tpu.memref_slice %arg19[%mul3A_2] : memref<10240xf32, #tpu.memory_space<vmem_shared>> -> memref<640xf32, #tpu.memory_space<vmem_shared>>
      tpu.wait_dma2 semaphore(%run_scoped3A : memref<!tpu.dma_semaphore, #tpu.memory_space<semaphore_mem>>) src(%arg13 : memref<640xf32, #tpu.memory_space<vmem>>) dst(%dma_wait3A_70 : memref<640xf32, #tpu.memory_space<vmem_shared>>)
      tpu.yield
    }) : () -> ()
    %dma_wait3A_45 = tpu.memref_slice %arg2[%mul3A_4] : memref<640000xi32, #tpu.memory_space<hbm>> -> memref<5000xi32, #tpu.memory_space<hbm>>
    %dma_wait3A_46 = tpu.memref_slice %arg2[%mul3A_4] : memref<640000xi32, #tpu.memory_space<hbm>> -> memref<5000xi32, #tpu.memory_space<hbm>>
    tpu.wait_dma2 semaphore(%arg15 : memref<!tpu.dma_semaphore, #tpu.memory_space<semaphore_mem>>) src(%dma_wait3A_46 : memref<5000xi32, #tpu.memory_space<hbm>>) dst(%arg5 : memref<5000xi32, #tpu.memory_space<vmem>>)
    %dma_wait3A_47 = tpu.memref_slice %arg2[%add3A_7] : memref<640000xi32, #tpu.memory_space<hbm>> -> memref<5000xi32, #tpu.memory_space<hbm>>
    %dma_wait3A_48 = tpu.memref_slice %arg2[%add3A_7] : memref<640000xi32, #tpu.memory_space<hbm>> -> memref<5000xi32, #tpu.memory_space<hbm>>
    tpu.wait_dma2 semaphore(%arg15 : memref<!tpu.dma_semaphore, #tpu.memory_space<semaphore_mem>>) src(%dma_wait3A_48 : memref<5000xi32, #tpu.memory_space<hbm>>) dst(%arg6 : memref<5000xi32, #tpu.memory_space<vmem>>)
    %dma_wait3A_49 = tpu.memref_slice %arg2[%add3A_11] : memref<640000xi32, #tpu.memory_space<hbm>> -> memref<5000xi32, #tpu.memory_space<hbm>>
    %dma_wait3A_50 = tpu.memref_slice %arg2[%add3A_11] : memref<640000xi32, #tpu.memory_space<hbm>> -> memref<5000xi32, #tpu.memory_space<hbm>>
    tpu.wait_dma2 semaphore(%arg15 : memref<!tpu.dma_semaphore, #tpu.memory_space<semaphore_mem>>) src(%dma_wait3A_50 : memref<5000xi32, #tpu.memory_space<hbm>>) dst(%arg7 : memref<5000xi32, #tpu.memory_space<vmem>>)
    %dma_wait3A_51 = tpu.memref_slice %arg2[%add3A_17] : memref<640000xi32, #tpu.memory_space<hbm>> -> memref<5000xi32, #tpu.memory_space<hbm>>
    %dma_wait3A_52 = tpu.memref_slice %arg2[%add3A_17] : memref<640000xi32, #tpu.memory_space<hbm>> -> memref<5000xi32, #tpu.memory_space<hbm>>
    tpu.wait_dma2 semaphore(%arg15 : memref<!tpu.dma_semaphore, #tpu.memory_space<semaphore_mem>>) src(%dma_wait3A_52 : memref<5000xi32, #tpu.memory_space<hbm>>) dst(%arg8 : memref<5000xi32, #tpu.memory_space<vmem>>)
    %barrier3A = arith.constant 0 : index
    tpu.barrier barrier_id(%barrier3A)
    %dma_start3A_53 = arith.constant 0 : i32
    %dma_start3A_54 = tpu.memref_slice %arg19[%dma_start3A_53] : memref<10240xf32, #tpu.memory_space<vmem_shared>> -> memref<10240xf32, #tpu.memory_space<vmem_shared>>
    tpu.enqueue_indirect_dma source(%dma_start3A_54 : memref<10240xf32, #tpu.memory_space<vmem_shared>>) target(%arg9 : memref<5000xf32, #tpu.memory_space<vmem>>) offsets(%arg7 : memref<5000xi32, #tpu.memory_space<vmem>>) semaphore(%arg17 : memref<!tpu.dma_semaphore, #tpu.memory_space<semaphore_mem>>)
    %dma_wait3A_55 = arith.constant 0 : i32
    %dma_wait3A_56 = tpu.memref_slice %arg19[%dma_wait3A_55] : memref<10240xf32, #tpu.memory_space<vmem_shared>> -> memref<10240xf32, #tpu.memory_space<vmem_shared>>
    tpu.wait_indirect_dma semaphore(%arg17 : memref<!tpu.dma_semaphore, #tpu.memory_space<semaphore_mem>>) src(%dma_wait3A_56 : memref<10240xf32, #tpu.memory_space<vmem_shared>>) dst(%arg9 : memref<5000xf32, #tpu.memory_space<vmem>>)
    %dma_start3A_57 = arith.constant 0 : i32
    %dma_start3A_58 = tpu.memref_slice %arg19[%dma_start3A_57] : memref<10240xf32, #tpu.memory_space<vmem_shared>> -> memref<10240xf32, #tpu.memory_space<vmem_shared>>
    tpu.enqueue_indirect_dma source(%dma_start3A_58 : memref<10240xf32, #tpu.memory_space<vmem_shared>>) target(%arg10 : memref<5000xf32, #tpu.memory_space<vmem>>) offsets(%arg8 : memref<5000xi32, #tpu.memory_space<vmem>>) semaphore(%arg17 : memref<!tpu.dma_semaphore, #tpu.memory_space<semaphore_mem>>)
    "tpu.region"() ({
      %run_scoped3A = tpu.sem_alloc : memref<!tpu.dma_semaphore, #tpu.memory_space<semaphore_mem>>
      %dma_start3A_67 = arith.constant 0 : i32
      %dma_start3A_68 = tpu.memref_slice %arg18[%dma_start3A_67] : memref<10240xf32, #tpu.memory_space<vmem_shared>> -> memref<10240xf32, #tpu.memory_space<vmem_shared>>
      tpu.enqueue_indirect_dma source(%arg9 : memref<5000xf32, #tpu.memory_space<vmem>>) target(%dma_start3A_68 : memref<10240xf32, #tpu.memory_space<vmem_shared>>) offsets(%arg5 : memref<5000xi32, #tpu.memory_space<vmem>>) semaphore(%run_scoped3A : memref<!tpu.dma_semaphore, #tpu.memory_space<semaphore_mem>>) {add = true}
      %dma_wait3A_69 = arith.constant 0 : i32
      %dma_wait3A_70 = tpu.memref_slice %arg18[%dma_wait3A_69] : memref<10240xf32, #tpu.memory_space<vmem_shared>> -> memref<10240xf32, #tpu.memory_space<vmem_shared>>
      tpu.wait_indirect_dma semaphore(%run_scoped3A : memref<!tpu.dma_semaphore, #tpu.memory_space<semaphore_mem>>) src(%arg9 : memref<5000xf32, #tpu.memory_space<vmem>>) dst(%dma_wait3A_70 : memref<10240xf32, #tpu.memory_space<vmem_shared>>)
      tpu.yield
    }) : () -> ()
    %dma_wait3A_59 = arith.constant 0 : i32
    %dma_wait3A_60 = tpu.memref_slice %arg19[%dma_wait3A_59] : memref<10240xf32, #tpu.memory_space<vmem_shared>> -> memref<10240xf32, #tpu.memory_space<vmem_shared>>
    tpu.wait_indirect_dma semaphore(%arg17 : memref<!tpu.dma_semaphore, #tpu.memory_space<semaphore_mem>>) src(%dma_wait3A_60 : memref<10240xf32, #tpu.memory_space<vmem_shared>>) dst(%arg10 : memref<5000xf32, #tpu.memory_space<vmem>>)
    "tpu.region"() ({
      %run_scoped3A = tpu.sem_alloc : memref<!tpu.dma_semaphore, #tpu.memory_space<semaphore_mem>>
      %dma_start3A_67 = arith.constant 0 : i32
      %dma_start3A_68 = tpu.memref_slice %arg18[%dma_start3A_67] : memref<10240xf32, #tpu.memory_space<vmem_shared>> -> memref<10240xf32, #tpu.memory_space<vmem_shared>>
      tpu.enqueue_indirect_dma source(%arg10 : memref<5000xf32, #tpu.memory_space<vmem>>) target(%dma_start3A_68 : memref<10240xf32, #tpu.memory_space<vmem_shared>>) offsets(%arg6 : memref<5000xi32, #tpu.memory_space<vmem>>) semaphore(%run_scoped3A : memref<!tpu.dma_semaphore, #tpu.memory_space<semaphore_mem>>) {add = true}
      %dma_wait3A_69 = arith.constant 0 : i32
      %dma_wait3A_70 = tpu.memref_slice %arg18[%dma_wait3A_69] : memref<10240xf32, #tpu.memory_space<vmem_shared>> -> memref<10240xf32, #tpu.memory_space<vmem_shared>>
      tpu.wait_indirect_dma semaphore(%run_scoped3A : memref<!tpu.dma_semaphore, #tpu.memory_space<semaphore_mem>>) src(%arg10 : memref<5000xf32, #tpu.memory_space<vmem>>) dst(%dma_wait3A_70 : memref<10240xf32, #tpu.memory_space<vmem_shared>>)
      tpu.yield
    }) : () -> ()
    %barrier3A_61 = arith.constant 0 : index
    tpu.barrier barrier_id(%barrier3A_61)
    %mul3A_62 = arith.constant 10240 : i32
    %mul3A_63 = arith.muli %mul3A_62, %arg0 : i32
    %mul3A_64 = arith.constant 640 : i32
    %mul3A_65 = arith.muli %mul3A_64, %arg1 : i32
    %add3A_66 = arith.addi %mul3A_63, %mul3A_65 : i32
    "tpu.region"() ({
      %run_scoped3A = tpu.sem_alloc : memref<!tpu.dma_semaphore, #tpu.memory_space<semaphore_mem>>
      %dma_start3A_67 = tpu.memref_slice %arg4[%add3A_66] : memref<20480xf32, #tpu.memory_space<hbm>> -> memref<640xf32, #tpu.memory_space<hbm>>
      %dma_start3A_68 = tpu.memref_slice %arg18[%mul3A_2] : memref<10240xf32, #tpu.memory_space<vmem_shared>> -> memref<640xf32, #tpu.memory_space<vmem_shared>>
      tpu.enqueue_dma source(%dma_start3A_68 : memref<640xf32, #tpu.memory_space<vmem_shared>>) target(%dma_start3A_67 : memref<640xf32, #tpu.memory_space<hbm>>) target_semaphore(%run_scoped3A : memref<!tpu.dma_semaphore, #tpu.memory_space<semaphore_mem>>)
      %dma_wait3A_69 = tpu.memref_slice %arg4[%add3A_66] : memref<20480xf32, #tpu.memory_space<hbm>> -> memref<640xf32, #tpu.memory_space<hbm>>
      %dma_wait3A_70 = tpu.memref_slice %arg18[%mul3A_2] : memref<10240xf32, #tpu.memory_space<vmem_shared>> -> memref<640xf32, #tpu.memory_space<vmem_shared>>
      tpu.wait_dma2 semaphore(%run_scoped3A : memref<!tpu.dma_semaphore, #tpu.memory_space<semaphore_mem>>) src(%dma_wait3A_70 : memref<640xf32, #tpu.memory_space<vmem_shared>>) dst(%dma_wait3A_69 : memref<640xf32, #tpu.memory_space<hbm>>)
      tpu.yield
    }) : () -> ()
    return
  }
}

module attributes {stable_mosaic.version = 14 : i64} {
  func.func @_tc_body(%arg0: memref<10000x128xf32, #tpu.memory_space<vmem>>, %arg1: memref<20480xf32, #tpu.memory_space<vmem>>, %arg2: memref<20480xf32, #tpu.memory_space<vmem>>, %arg3: memref<20480xf32, #tpu.memory_space<vmem>>, %arg4: memref<128x256xf32, #tpu.memory_space<vmem>>, %arg5: memref<256xf32, #tpu.memory_space<vmem>>, %arg6: memref<256x128xf32, #tpu.memory_space<vmem>>, %arg7: memref<128xf32, #tpu.memory_space<vmem>>, %arg8: memref<1x128xf32, #tpu.memory_space<vmem>>) attributes {dimension_semantics = [], scalar_prefetch = 0 : i64, scratch_operands = 0 : i64, tpu.core_type = #tpu.core_type<tc>} {
    %get3A = arith.constant 0 : index
    %get3A_0 = vector.load %arg1[%get3A] : memref<20480xf32, #tpu.memory_space<vmem>>, vector<20480xf32>
    %reshape3A = vector.shape_cast %get3A_0 : vector<20480xf32> to vector<2x10240xf32>
    %get3A_1 = arith.constant 0 : index
    %get3A_2 = vector.load %arg2[%get3A_1] : memref<20480xf32, #tpu.memory_space<vmem>>, vector<20480xf32>
    %reshape3A_3 = vector.shape_cast %get3A_2 : vector<20480xf32> to vector<2x10240xf32>
    %get3A_4 = arith.constant 0 : index
    %get3A_5 = vector.load %arg3[%get3A_4] : memref<20480xf32, #tpu.memory_space<vmem>>, vector<20480xf32>
    %reshape3A_6 = vector.shape_cast %get3A_5 : vector<20480xf32> to vector<2x10240xf32>
    %slice3A = vector.extract_strided_slice %reshape3A {offsets = [0, 0], sizes = [1, 10240], strides = [1, 1]} : vector<2x10240xf32> to vector<1x10240xf32>
    %squeeze3A = vector.shape_cast %slice3A : vector<1x10240xf32> to vector<10240xf32>
    %slice3A_7 = vector.extract_strided_slice %reshape3A {offsets = [1, 0], sizes = [1, 10240], strides = [1, 1]} : vector<2x10240xf32> to vector<1x10240xf32>
    %squeeze3A_8 = vector.shape_cast %slice3A_7 : vector<1x10240xf32> to vector<10240xf32>
    %add3A = arith.addf %squeeze3A, %squeeze3A_8 : vector<10240xf32>
    %gt3A = arith.constant 0.000000e+00 : f32
    %gt3A_9 = vector.broadcast %gt3A : f32 to vector<10240xf32>
    %gt3A_10 = arith.cmpf ogt, %add3A, %gt3A_9 : vector<10240xf32>
    %max3A = arith.constant 1.000000e+00 : f32
    %max3A_11 = vector.broadcast %max3A : f32 to vector<10240xf32>
    %max3A_12 = arith.maximumf %add3A, %max3A_11 : vector<10240xf32>
    %rsqrt3A = math.rsqrt %max3A_12 : vector<10240xf32>
    %jit3A = arith.constant 0.000000e+00 : f32
    %broadcast_in_dim3A = vector.broadcast %jit3A : f32 to vector<10240xf32>
    %select_n3A = arith.select %gt3A_10, %rsqrt3A, %broadcast_in_dim3A : vector<10240xi1>, vector<10240xf32>
    %slice3A_13 = vector.extract_strided_slice %reshape3A_3 {offsets = [0, 0], sizes = [1, 10240], strides = [1, 1]} : vector<2x10240xf32> to vector<1x10240xf32>
    %squeeze3A_14 = vector.shape_cast %slice3A_13 : vector<1x10240xf32> to vector<10240xf32>
    %slice3A_15 = vector.extract_strided_slice %reshape3A_3 {offsets = [1, 0], sizes = [1, 10240], strides = [1, 1]} : vector<2x10240xf32> to vector<1x10240xf32>
    %squeeze3A_16 = vector.shape_cast %slice3A_15 : vector<1x10240xf32> to vector<10240xf32>
    %add3A_17 = arith.addf %squeeze3A_14, %squeeze3A_16 : vector<10240xf32>
    %mul3A = arith.mulf %select_n3A, %add3A_17 : vector<10240xf32>
    %slice3A_18 = vector.extract_strided_slice %reshape3A_6 {offsets = [0, 0], sizes = [1, 10240], strides = [1, 1]} : vector<2x10240xf32> to vector<1x10240xf32>
    %squeeze3A_19 = vector.shape_cast %slice3A_18 : vector<1x10240xf32> to vector<10240xf32>
    %slice3A_20 = vector.extract_strided_slice %reshape3A_6 {offsets = [1, 0], sizes = [1, 10240], strides = [1, 1]} : vector<2x10240xf32> to vector<1x10240xf32>
    %squeeze3A_21 = vector.shape_cast %slice3A_20 : vector<1x10240xf32> to vector<10240xf32>
    %add3A_22 = arith.addf %squeeze3A_19, %squeeze3A_21 : vector<10240xf32>
    %mul3A_23 = arith.mulf %select_n3A, %add3A_22 : vector<10240xf32>
    %reshape3A_24 = vector.shape_cast %mul3A_23 : vector<10240xf32> to vector<1x10240xf32>
    %slice3A_25 = vector.extract_strided_slice %reshape3A_24 {offsets = [0, 0], sizes = [1, 10000], strides = [1, 1]} : vector<1x10240xf32> to vector<1x10000xf32>
    %get3A_26 = arith.constant 0 : index
    %get3A_27 = arith.constant 0 : index
    %get3A_28 = vector.load %arg0[%get3A_26, %get3A_27] : memref<10000x128xf32, #tpu.memory_space<vmem>>, vector<10000x128xf32>
    %dot_general3A = arith.constant dense<0.000000e+00> : vector<1x128xf32>
    %dot_general3A_29 = tpu.matmul %slice3A_25, %get3A_28, %dot_general3A {dimension_numbers = #tpu.dot_dimension_numbers<[1], [0], [0], [1], [0, 0, 1, 1], [], []>, precision = #tpu.contract_precision<fp32>, transpose_lhs_hint = false} : vector<1x10000xf32>, vector<10000x128xf32>, vector<1x128xf32> -> vector<1x128xf32>
    %reduce_sum3A = vector.shape_cast %mul3A : vector<10240xf32> to vector<1x10240xf32>
    %reduce_sum3A_30 = arith.constant dense<0.000000e+00> : vector<1xf32>
    %reduce_sum3A_31 = vector.multi_reduction <add>, %reduce_sum3A, %reduce_sum3A_30 [1] : vector<1x10240xf32> to vector<1xf32>
    %reduce_sum3A_32 = vector.shape_cast %reduce_sum3A_31 : vector<1xf32> to vector<1x1xf32>
    %reduce_sum3A_33 = vector.extract %reduce_sum3A_32[0, 0] : f32 from vector<1x1xf32>
    %get3A_34 = arith.constant 0 : index
    %get3A_35 = arith.constant 0 : index
    %get3A_36 = vector.load %arg4[%get3A_34, %get3A_35] : memref<128x256xf32, #tpu.memory_space<vmem>>, vector<128x256xf32>
    %dot_general3A_37 = arith.constant dense<0.000000e+00> : vector<1x256xf32>
    %dot_general3A_38 = tpu.matmul %dot_general3A_29, %get3A_36, %dot_general3A_37 {dimension_numbers = #tpu.dot_dimension_numbers<[1], [0], [0], [1], [0, 0, 1, 1], [], []>, precision = #tpu.contract_precision<fp32>, transpose_lhs_hint = false} : vector<1x128xf32>, vector<128x256xf32>, vector<1x256xf32> -> vector<1x256xf32>
    %get3A_39 = arith.constant 0 : index
    %get3A_40 = vector.load %arg5[%get3A_39] : memref<256xf32, #tpu.memory_space<vmem>>, vector<256xf32>
    %reshape3A_41 = vector.shape_cast %get3A_40 : vector<256xf32> to vector<1x256xf32>
    %mul3A_42 = vector.broadcast %reduce_sum3A_33 : f32 to vector<1x256xf32>
    %mul3A_43 = arith.mulf %mul3A_42, %reshape3A_41 : vector<1x256xf32>
    %add3A_44 = arith.addf %dot_general3A_38, %mul3A_43 : vector<1x256xf32>
    %get3A_45 = arith.constant 0 : index
    %get3A_46 = arith.constant 0 : index
    %get3A_47 = vector.load %arg6[%get3A_45, %get3A_46] : memref<256x128xf32, #tpu.memory_space<vmem>>, vector<256x128xf32>
    %dot_general3A_48 = arith.constant dense<0.000000e+00> : vector<1x128xf32>
    %dot_general3A_49 = tpu.matmul %add3A_44, %get3A_47, %dot_general3A_48 {dimension_numbers = #tpu.dot_dimension_numbers<[1], [0], [0], [1], [0, 0, 1, 1], [], []>, precision = #tpu.contract_precision<fp32>, transpose_lhs_hint = false} : vector<1x256xf32>, vector<256x128xf32>, vector<1x128xf32> -> vector<1x128xf32>
    %get3A_50 = arith.constant 0 : index
    %get3A_51 = vector.load %arg7[%get3A_50] : memref<128xf32, #tpu.memory_space<vmem>>, vector<128xf32>
    %reshape3A_52 = vector.shape_cast %get3A_51 : vector<128xf32> to vector<1x128xf32>
    %mul3A_53 = arith.constant 1.000000e+04 : f32
    %mul3A_54 = vector.broadcast %mul3A_53 : f32 to vector<1x128xf32>
    %mul3A_55 = arith.mulf %mul3A_54, %reshape3A_52 : vector<1x128xf32>
    %add3A_56 = arith.addf %dot_general3A_49, %mul3A_55 : vector<1x128xf32>
    %swap3A = arith.constant 0 : index
    %swap3A_57 = arith.constant 0 : index
    %swap3A_58 = vector.load %arg8[%swap3A, %swap3A_57] : memref<1x128xf32, #tpu.memory_space<vmem>>, vector<1x128xf32>
    tpu.vector_store %arg8[%swap3A, %swap3A_57], %add3A_56 {strides = array<i32>} : memref<1x128xf32, #tpu.memory_space<vmem>>, vector<1x128xf32>,
    return
  }
}

</mosaic_0001>

<sc_bundles>
// kernel: kernel.12.cloned.1.call-start
scs
__scs_entry_jumppad:
0x0: {  	(pc) =	sbr.rel $0x88, $3  }
0x1: {  	(tag) =	ssettag $0x0;
	lr =	simm.s32 $0x1  }
0x2: {  	[smem:$0x3F9B] =	sst lr;
	_ =	strace $0xD0000000  }
0x3: {  	_ = 	snop  }
0x4: {  	_ = 	snop  }
0x5: {  	_ = 	snop  }
0x6: {  	_ = 	snop  }
0x7: {  	_ = 	snop  }
__scs_overlays_trampoline_lowered:
0x8: {  	[smem:$0x3FAA] =	sst s0  }
0x9: {  	[smem:$0x3FAB] =	sst s1  }
0xa: {  	[smem:$0x3FAC] =	sst s2  }
0xb: {  	[smem:$0x3FAD] =	sst s3  }
0xc: {  	[smem:$0x3FAE] =	sst s4  }
0xd: {  	[smem:$0x3FAF] =	sst s5  }
0xe: {  	[smem:$0x3FB0] =	sst s6  }
0xf: {  	[smem:$0x3FB1] =	sst s7  }
0x10: {  	[smem:$0x3FB2] =	sst s8  }
0x11: {  	[smem:$0x3FB3] =	sst s9;
	s0 =	simm.s32 @!p0 $0x0  }
0x12: {  	s1 =	sld [smem:$0x3F99];
	s0 =	simm.s32 @p0 $0x1  }
0x13: {  	[smem:$0x3FB4] =	sst s0;
	s0 =	simm.s32 @!p1 $0x0  }
0x14: {  	s2 =	sld [smem:$0x3F98];
	s0 =	simm.s32 @p1 $0x1  }
0x15: {  	[smem:$0x3FB5] =	sst s0;
	s0 =	simm.s32 @!p2 $0x0  }
0x16: {  	s3 =	sld [smem:$0x3FDB];
	s0 =	simm.s32 @p2 $0x1  }
0x17: {  	s4 =	simm.s32 $0x1BF5;
	[smem:$0x3FB7] =	sst s0  }
0x18: {  	s0 =	sld [smem:$0x3F9A];
	_ =	swait.ge [sflag:s4], $0x0  }
0x19: {  	s7 =	sld [smem:$0x3F9B]  }
0x1a: {  	s8 =	sadd.s32 $0xFFFFE003, lr  }
0x1b: {  	s9 =	sadd.s32 $0xFFFFFEF7, lr;
	s5 =	simm.s32 $0xFFFFFFFF;
	p2 =	slt.u32 s8, $0xFFFFF086  }
0x1c: {  	p1 =	slt.u32 s9, $0xF7A;
	s5 =	simm.s32 @!p2 $0x0  }
0x1d: {  	s5 =	simm.s32 @p1 $0x1;
	p0 =	seq.s32 s7, s2  }
0x1e: {  	s7 =	smul.u32 @!p0 $0xF7A, s2;
	p2 =	seq.s32 @!p0 s5, $0x0  }
0x1f: {  	s9 =	smul.u32 $0xF7A, s1;
	s8 =	simm.s32 @!p0 $0x1BF5;
	p2 =	por !p2, p0  }
0x20: {  	[sflag:s8] =	ssyncset.s32 @!p0 $0xFFFFF086;
	s6 =	sadd.s32 @!p0 s3, s7;
	s7 =	simm.s32 @!p0 $0x108  }
0x21: {  	s3 =	sadd.s32 s3, s9;
	s6 =	sadd.s32 @!p0 $0x88, s6;
	s7 =	simm.s32 @p2 $0x1082  }
0x22: {  	[simem:s7], [sflag:s8] =	dma.local @!p0 [hbm:s6], $0xF7A  }
0x23: {  	s9 =	sor.u32 $0xD0000000, s2;
	s6 =	simm.s32 $0x108;
	_ =	swait.ge @!p0 [sflag:s8], $0x0  }
0x24: {  	s3 =	sadd.s32 $0x88, s3;
	s6 =	simm.s32 @!p1 $0x1082;
	[sflag:s4] =	ssyncset.s32 $0xFFFFF086  }
0x25: {  	[simem:s6], [sflag:s4] =	dma.local [hbm:s3], $0xF7A  }
0x26: {  	[smem:$0x3F9B] =	sst s1;
	(tag) =	ssettag s2;
	_ =	strace s9  }
0x27: {  	s1 =	sld [smem:$0x3FAB]  }
0x28: {  	s2 =	sld [smem:$0x3FAC]  }
0x29: {  	s4 =	sld [smem:$0x3FAE]  }
0x2a: {  	p0 =	seq.s32 s5, $0x0;
	s5 =	sld [smem:$0x3FAF]  }
0x2b: {  	s6 =	sld [smem:$0x3FB0]  }
0x2c: {  	s7 =	sld [smem:$0x3FB1]  }
0x2d: {  	s3 =	simm.s32 $0x108;
	s8 =	sld [smem:$0x3FB2]  }
0x2e: {  	s3 =	simm.s32 @!p0 $0x1082;
	s9 =	sld [smem:$0x3FB3]  }
0x2f: {  	lr =	sadd.s32 s0, s3;
	s0 =	sld [smem:$0x3FAA]  }
0x30: {  	s3 =	sld [smem:$0x3FAD]  }
0x31: {  	[smem:$0x3FB6] =	sst s10  }
0x32: {  	s10 =	sld [smem:$0x3FB4];
	_ =	sdelay $0x3  }
0x33: {  	p0 =	seq.s32 s10, $0x1;
	s10 =	sld [smem:$0x3FB6];
	_ =	sdelay $0x3  }
0x34: {  	[smem:$0x3FB6] =	sst s10  }
0x35: {  	s10 =	sld [smem:$0x3FB5];
	_ =	sdelay $0x3  }
0x36: {  	p1 =	seq.s32 s10, $0x1;
	s10 =	sld [smem:$0x3FB6];
	_ =	sdelay $0x3  }
0x37: {  	[smem:$0x3FB6] =	sst s10  }
0x38: {  	s10 =	sld [smem:$0x3FB7]  }
0x39: {  	_ = 	snop;
	(pc) =	sbr.ind lr, $3  }
0x3a: {  	_ = 	snop  }
0x3b: {  	_ = 	snop  }
0x3c: {  	p2 =	seq.s32 s10, $0x1;
	s10 =	sld [smem:$0x3FB6]  }
0x3d: {  	_ =	shalt  }
0x3e: {  	_ =	shalt  }
0x3f: {  	_ =	shalt  }
0x40: {  	_ =	shalt  }
0x41: {  	_ =	shalt  }
0x42: {  	_ =	shalt  }
0x43: {  	_ =	shalt  }
0x44: {  	_ =	shalt  }
0x45: {  	_ =	shalt  }
0x46: {  	_ =	shalt  }
0x47: {  	_ =	shalt  }
0x48: {  	_ =	shalt  }
0x49: {  	_ =	shalt  }
0x4a: {  	_ =	shalt  }
0x4b: {  	_ =	shalt  }
0x4c: {  	_ =	shalt  }
0x4d: {  	_ =	shalt  }
0x4e: {  	_ =	shalt  }
0x4f: {  	_ =	shalt  }
0x50: {  	_ =	shalt  }
0x51: {  	_ =	shalt  }
0x52: {  	_ =	shalt  }
0x53: {  	_ =	shalt  }
0x54: {  	_ =	shalt  }
0x55: {  	_ =	shalt  }
0x56: {  	_ =	shalt  }
0x57: {  	_ =	shalt  }
0x58: {  	_ =	shalt  }
0x59: {  	_ =	shalt  }
0x5a: {  	_ =	shalt  }
0x5b: {  	_ =	shalt  }
0x5c: {  	_ =	shalt  }
0x5d: {  	_ =	shalt  }
0x5e: {  	_ =	shalt  }
0x5f: {  	_ =	shalt  }
0x60: {  	_ =	shalt  }
0x61: {  	_ =	shalt  }
0x62: {  	_ =	shalt  }
0x63: {  	_ =	shalt  }
0x64: {  	_ =	shalt  }
0x65: {  	_ =	shalt  }
0x66: {  	_ =	shalt  }
0x67: {  	_ =	shalt  }
0x68: {  	_ =	shalt  }
0x69: {  	_ =	shalt  }
0x6a: {  	_ =	shalt  }
0x6b: {  	_ =	shalt  }
0x6c: {  	_ =	shalt  }
0x6d: {  	_ =	shalt  }
0x6e: {  	_ =	shalt  }
0x6f: {  	_ =	shalt  }
0x70: {  	_ =	shalt  }
0x71: {  	_ =	shalt  }
0x72: {  	_ =	shalt  }
0x73: {  	_ =	shalt  }
0x74: {  	_ =	shalt  }
0x75: {  	_ =	shalt  }
0x76: {  	_ =	shalt  }
0x77: {  	_ =	shalt  }
0x78: {  	_ =	shalt  }
0x79: {  	_ =	shalt  }
0x7a: {  	_ =	shalt  }
0x7b: {  	_ =	shalt  }
0x7c: {  	_ =	shalt  }
0x7d: {  	_ =	shalt  }
0x7e: {  	_ =	shalt  }
0x7f: {  	_ =	shalt  }
0x80: {  	_ =	shalt  }
0x81: {  	_ =	shalt  }
0x82: {  	_ =	shalt  }
0x83: {  	_ =	shalt  }
0x84: {  	_ =	shalt  }
0x85: {  	_ =	shalt  }
0x86: {  	_ =	shalt  }
0x87: {  	_ =	shalt  }
.Lfunc_end0:
.L_simem_size_0:
called_computation.2_lowered:
.L_overlay_start_0:
0x88: {  	s2 =	sld [smem:$0x3FD9]  }
0x89: {  	s3 =	sld [smem:$0x3FFE];
	_ =	sdelay $0x1  }
0x8a: {  	s1 =	srdreg.scid  }
0x8b: {  	s0 =	sand.u32 $0x1, s1  }
0x8c: {  	s16 =	sshll.u32 s0, $0xA;
	s2 =	sadd.s32 s3, s2  }
0x8d: {  	s2 =	sadd.s32 s2, s16  }
0x8e: {  	[smem:$0x3FC2] =	sst s2  }
0x8f: {  	_ = 	snop  }
0x90: {  	(tm) =	ssettm $0x1  }
0x91: {  	s17 =	sld [smem:$0x3FFB];
	_ =	sdelay $0x3  }
0x92: {  	_ =	strace s17  }
0x93: {  	s2 =	sld [smem:$0x3FFC];
	_ =	sdelay $0x3  }
0x94: {  	_ =	strace s2  }
0x95: {  	s2 =	sld [smem:$0x3FFD];
	_ =	sdelay $0x3  }
0x96: {  	_ =	strace s2  }
0x97: {  	_ =	strace $0x8FFFFFFF  }
0x98: {  	s18 =	sld [smem:$0x3FDB];
	_ =	sdelay $0x1  }
0x99: {  	s19 =	simm.s32 $_scs_section_size  }
0x9a: {  	s4 =	simm.s32 $_size__tile_overlayer_lowered;
	s5 =	simm.s32 $_tile_overlayer_lowered  }
0x9b: {  	s22 =	simm.s32 $0x1BFF;
	s21 =	sshll.u32 s5, $0x1;
	s2 =	sadd.s32 s19, s18  }
0x9c: {  	s6 =	simm.s32 $0x0;
	s20 =	sshll.u32 s4, $0x1;
	s4 =	sadd.s32 s21, s2  }
0x9d: {  	[timem:s6], [sflag:s22] =	dma.local [hbm:s4], s20  }
0x9e: {  	_ =	swait.ge [sflag:s22], s20  }
0x9f: {  	s3 =	ssub.s32 $0x0, s20;
	[sflag:s22] =	ssyncset.done $0x0  }
0xa0: {  	[sflag:s22] =	ssyncadd.s32 s3;
	_ =	sdelay $0x1  }
0xa1: {  	s23 =	simm.s32 $0x1B8B  }
0xa2: {  	_ =	swait.ge [sflag:s23], $0x1  }
0xa3: {  	[sflag:s23] =	ssyncset.done $0x0  }
0xa4: {  	s25 =	simm.s32 $0x1B8E;
	s24 =	sld [smem:$0x3FFE];
	[sflag:s23] =	ssyncadd.s32 $0xFFFFFFFF  }
0xa5: {  	s26 =	simm.s32 $execute0_lowered;
	[smem:$0x3FD2] =	sst s25  }
0xa6: {  	s4 =	sshll.u32 s26, $0x1;
	_ =	strace $0x8000004C;
	[dreg:$0x1] =	wrdreg $0xFFFFFFFF  }
0xa7: {  	s28 =	simm.s32 $_size_execute0_lowered;
	s2 =	sadd.s32 s2, s4;
	[dreg:$0x0] =	wrdreg $0x0  }
0xa8: {  	s4 =	sshll.u32 s28, $0x1;
	[dreg:$0x2] =	wrdreg s2  }
0xa9: {  	[dreg:$0x3] =	wrdreg s4  }
0xaa: {  	[dreg:$0x4] =	wrdreg $0xC0  }
0xab: {  	_ =	task [dreg:s6], $0x5FFFF  }
0xac: {  	[dreg:$0x1] =	wrdreg $0xFFFFFFFF  }
0xad: {  	[dreg:$0x0] =	wrdreg $0x60  }
0xae: {  	[dreg:$0x2] =	wrdreg s24  }
0xaf: {  	[dreg:$0x3] =	wrdreg $0x84800  }
0xb0: {  	[dreg:$0x4] =	wrdreg $0x82000  }
0xb1: {  	[dreg:$0x5] =	wrdreg $0x9  }
0xb2: {  	_ =	task.clear_ibuf [dreg:s6], $0x6FFFF;
	_ =	strace $0x9000004C  }
0xb3: {  	s29 =	simm.s32 $0x9;
	_ =	strace $0x8000004E  }
0xb4: {  	_ =	swait.ge [sflag:s29], $0x1  }
0xb5: {  	[sflag:s29] =	ssyncadd.s32 $0xFFFFFFFF  }
0xb6: {  	_ =	strace $0x9000004E  }
0xb7: {  	_ =	sfence  }
0xb8: {  	s30 =	sld [smem:$0x0];
	_ =	sdelay $0x2  }
0xb9: {  	s31 =	sshll.u32 s1, $0xD;
	s1 =	sshrl.u32 s1, $0x2  }
0xba: {  	s3 =	sand.u32 $0x4000, s31;
	s1 =	sadd.s32 s1, s30  }
0xbb: {  	s0 =	sor.u32 s3, s0;
	s1 =	sshll.u32 s1, $0x11  }
0xbc: {  	s0 =	sor.u32 s1, s0  }
0xbd: {  	s0 =	sadd.s32 $0x8F2B, s0  }
0xbe: {  	[sflag:s0] =	ssyncadd.remote.s32 $0x1  }
0xbf: {  	_ =	sfence.sel $0xFFFF  }
0xc0: {  	[dreg:$0x0] =	wrdreg $0xFFFFFFFF;
	(pc) =	sbr.abs _section_cstart, $3  }
0xc1: {  	[dreg:$0x1] =	wrdreg $0xFFFFFFFF  }
0xc2: {  	_ =	task.clear_ibuf [dreg:s6], $0x2FFFF;
	_ =	strace $0x9FFFFFFF  }
0xc3: {  	(tm) =	ssettm $0x7FFFFFFF  }
tec
execute0_lowered:
.L_overlay_start_1:
0x0: {  	(tag) =	ssettag $0x1  }
0x1: {  	s0 =	rddreg [dreg:$0x0]  }
0x2: {  	s14 =	rddreg [dreg:$0x1]  }
0x3: {  	s15 =	rddreg [dreg:$0x2]  }
0x4: {  	s1 =	srdreg.scid;
	s5 =	stileid.u32;
	s4 =	simm.s32 $0x0  }
0x5: {  	s17 =	simm.s32 $0x1400;
	s18 =	simm.s32 $0x2800;
	s19 =	simm.s32 $0x3C00  }
0x6: {  	s20 =	simm.s32 $0x7800;
	s21 =	simm.s32 $0x7A80;
	s22 =	simm.s32 $0x2  }
0x7: {  	s28 =	simm.s32 $0x1388;
	s29 =	simm.s32 $0x5000;
	s30 =	simm.s32 $0x3  }
0x8: {  	s31 =	simm.s32 $0x6400;
	s1 =	sand.u32 $0x1, s1;
	s2 =	smul.u32 $0x280, s5  }
0x9: {  	[smem:$0x7FF] =	sst s4;
	s5 =	sshll.u32 s5, $0x1;
	s6 =	sadd.s32 $0x2200, s0  }
0xa: {  	s7 =	sadd.s32 $0x15C00, s0;
	s12 =	sadd.s32 $0x16600, s0;
	s3 =	smul.u32 $0x2800, s1  }
0xb: {  	_ =	strace $0x8000004D;
	s5 =	sor.u32 s1, s5;
	s1 =	ssub.s32 $0x2, s1  }
0xc: {  	s8 =	smul.u32 $0x2710, s5;
	s23 =	sshrl.u32 s1, $0x1;
	s11 =	sshrl.u32 s2, $0x3  }
0xd: {  	s3 =	sadd.s32 s2, s3;
	s1 =	ssub.s32 s1, s23;
	s13 =	sadd.s32 $0x500, s11  }
0xe: {  	s3 =	sshrl.u32 s3, $0x3;
	s5 =	sshrl.u32 s8, $0x3;
	s9 =	sadd.s32 $0x1388, s8  }
0xf: {  	s25 =	sadd.s32 $0x4F588, s8;
	s10 =	sadd.s32 s7, s13;
	s16 =	smax.u32 s1, $0x1  }
0x10: {  	s0 =	sadd.s32 s3, s0;
	s5 =	sadd.s32 s6, s5;
	s24 =	sshrl.u32 s9, $0x3  }
0x11: {  	s9 =	sadd.s32 s7, s11;
	s11 =	sadd.s32 s12, s11;
	s12 =	sadd.s32 s12, s13  }
0x12: {  	s13 =	sadd.s32 s2, s14;
	s14 =	sadd.s32 s2, s15;
	s3 =	sadd.s32 s6, s24  }
0x13: {  	s26 =	sadd.s32 $0x9C40, s5;
	s15 =	sadd.s32 $0x17000, s0;
	s24 =	simm.s32 $0x4  }
0x14: {  	s0 =	simm.s32 $0x0;
	[dreg:$0x4] =	wrdreg s3;
	s3 =	sshrl.u32 s25, $0x3  }
0x15: {  	v0 =	vimm.f32 $0.0e+00;
	[dreg:$0x5] =	wrdreg s26;
	s26 =	simm.s32 $0x1;
	s8 =	sadd.s32 s6, s3  }
.LBB2_1:
0x16: {  	[tilespmem:s4], [sflag:$0x1] =	stream.linear.gather [hbm4b:s5+s4], $0x1388, $0x38;
	[tilespmem:$0x8700] =	vst v63  }
0x17: {  	s1 =	rddreg [dreg:$0x4]  }
0x18: {  	[tilespmem:s17], [sflag:$0x1] =	stream.linear.gather [hbm4b:s1+s4], $0x1388, $0x38;
	[tilespmem:$0x8700] =	vst v63  }
0x19: {  	s25 =	rddreg [dreg:$0x5]  }
0x1a: {  	[tilespmem:s18], [sflag:$0x1] =	stream.linear.gather [hbm4b:s25+s4], $0x1388, $0x38;
	[tilespmem:$0x8700] =	vst v63  }
0x1b: {  	_ = 	snop  }
0x1c: {  	[tilespmem:s19], [sflag:$0x1] =	stream.linear.gather [hbm4b:s8+s4], $0x1388, $0x38;
	[tilespmem:$0x8700] =	vst v63  }
0x1d: {  	_ = 	snop  }
0x1e: {  	[tilespmem:s20], [sflag:$0x2] =	stream.linear.gather [hbm4b:s9+s4], $0x280, $0x38;
	[tilespmem:$0x8700] =	vst v63  }
0x1f: {  	_ = 	snop  }
0x20: {  	[tilespmem:s21], [sflag:$0x2] =	stream.linear.gather [hbm4b:s10+s4], $0x280, $0x38;
	[tilespmem:$0x8700] =	vst v63  }
0x21: {  	_ =	swait.ge [sflag:s22], $0x280  }
0x22: {  	[sflag:s22] =	ssyncset.done $0x0  }
0x23: {  	[sflag:s22] =	ssyncadd.s32 $0xFFFFFD80  }
0x24: {  	_ =	swait.ge [sflag:s22], $0x280  }
0x25: {  	[sflag:s22] =	ssyncset.done $0x0  }
0x26: {  	s23 =	simm.s32 $0x0;
	[sflag:s22] =	ssyncadd.s32 $0xFFFFFD80  }
0x27: {  	v1 =	vld [tilespmem:s23+$0x7800]  }
0x28: {  	v2 =	vld [tilespmem:s23+$0x7A80];
	_ =	sdelay $0x4  }
0x29: {  	s1 =	simm.s32 $0x10;
	v10 =	vadd.f32 v2, v1  }
0x2a: {  	v1 =	vld [tilespmem:s1+$0x7800]  }
0x2b: {  	v2 =	vld [tilespmem:s1+$0x7A80];
	v3 =	vmax.f32 v10, $1.000000000e+00  }
0x2c: {  	v4 =	vshrl.u32 v3, $0x1;
	v5 =	vmul.f32 $5.000000000e-01, v3  }
0x2d: {  	v3 =	vsub.s32 $0x5F3759DF, v4  }
0x2e: {  	v4 =	vmul.f32 v3, v5;
	_ =	sdelay $0x1  }
0x2f: {  	s25 =	simm.s32 $0x20;
	v2 =	vadd.f32 v2, v1;
	v1 =	vmul.f32 v3, v4  }
0x30: {  	v6 =	vld [tilespmem:s25+$0x7A80]  }
0x31: {  	v4 =	vld [tilespmem:s25+$0x7800];
	v7 =	vmax.f32 v2, $1.000000000e+00;
	v1 =	vsub.f32 $1.500000000e+00, v1  }
0x32: {  	v8 =	vshrl.u32 v7, $0x1;
	v11 =	vmul.f32 $5.000000000e-01, v7  }
0x33: {  	v7 =	vsub.s32 $0x5F3759DF, v8;
	v3 =	vmul.f32 v3, v1  }
0x34: {  	v8 =	vmul.f32 v7, v11  }
0x35: {  	v9 =	vmul.f32 v3, v5  }
0x36: {  	s2 =	simm.s32 $0x30;
	v1 =	vadd.f32 v6, v4;
	v4 =	vmul.f32 v7, v8  }
0x37: {  	v6 =	vld [tilespmem:s2+$0x7800];
	v8 =	vmul.f32 v9, v3  }
0x38: {  	v12 =	vmax.f32 v1, $1.000000000e+00;
	v13 =	vsub.f32 $1.500000000e+00, v4;
	v9 =	vld [tilespmem:s2+$0x7A80]  }
0x39: {  	v14 =	vshrl.u32 v12, $0x1;
	v4 =	vmul.f32 $5.000000000e-01, v12;
	v8 =	vsub.f32 $1.500000000e+00, v8  }
0x3a: {  	v12 =	vsub.s32 $0x5F3759DF, v14;
	v7 =	vmul.f32 v7, v13  }
0x3b: {  	v13 =	vmul.f32 v12, v4;
	v14 =	vmul.f32 v8, v3  }
0x3c: {  	v8 =	vmul.f32 v7, v11  }
0x3d: {  	s3 =	simm.s32 $0x40;
	v3 =	vadd.f32 v9, v6;
	v6 =	vmul.f32 v12, v13;
	v5 =	vmul.f32 v14, v5  }
0x3e: {  	v15 =	vld [tilespmem:s3+$0x7A80];
	v8 =	vmul.f32 v8, v7  }
0x3f: {  	v13 =	vld [tilespmem:s3+$0x7800];
	v9 =	vmax.f32 v3, $1.000000000e+00;
	v6 =	vsub.f32 $1.500000000e+00, v6;
	v16 =	vmul.f32 v5, v14  }
0x40: {  	v17 =	vshrl.u32 v9, $0x1;
	v5 =	vmul.f32 $5.000000000e-01, v9;
	v18 =	vsub.f32 $1.500000000e+00, v8  }
0x41: {  	v9 =	vsub.s32 $0x5F3759DF, v17;
	v8 =	vmul.f32 v12, v6;
	v6 =	vsub.f32 $1.500000000e+00, v16  }
0x42: {  	v16 =	vmul.f32 v9, v5;
	v7 =	vmul.f32 v18, v7  }
0x43: {  	s6 =	simm.s32 $0x50;
	vm0 =	vgt.f32 v10, $5.000000000e-01;
	v17 =	vmul.f32 v8, v4;
	v63 =	vmul.f32 v6, v14  }
0x44: {  	v12 =	vld [tilespmem:s6+$0x7800];
	v6 =	vadd.f32 v15, v13;
	v15 =	vmul.f32 v9, v16;
	v11 =	vmul.f32 v7, v11  }
0x45: {  	s7 =	simm.s32 $0x180;
	v14 =	vld [tilespmem:s6+$0x7A80];
	v13 =	vmul.f32 v17, v8;
	v10 =	vnsel vm0, $0x0, v63  }
.LBB2_2:
0x46: {  	p0 =	sne.s32 s7, $0x9C0;
	v16 =	vmax.f32 v6, $1.000000000e+00;
	v15 =	vsub.f32 $1.500000000e+00, v15;
	v11 =	vmul.f32 v11, v7;
	[tilespmem:s23+$0x7F80] =	vst v10;
	v17 =	vmovc v3;
	v3 =	vmovc v6;
	s23 =	smov.u32 s1;
	s1 =	smov.u32 s25  }
0x47: {  	s25 =	smov.u32 s2;
	s2 =	smov.u32 s3;
	s3 =	smov.u32 s6;
	v6 =	vshrl.u32 v16, $0x1;
	v10 =	vmul.f32 $5.000000000e-01, v16;
	v13 =	vsub.f32 $1.500000000e+00, v13  }
.Ltmp0:
0x48: {  	v15 =	vmul.f32 v9, v15;
	v9 =	vsub.s32 $0x5F3759DF, v6;
	v11 =	vsub.f32 $1.500000000e+00, v11;
	(pc) =	sbr.rel @p0 .LBB2_2-.Ltmp0, $4  }
0x49: {  	v16 =	vmul.f32 v9, v10;
	v18 =	vmul.f32 v13, v8  }
0x4a: {  	s6 =	sshra.s32 s7, $0x2;
	v6 =	vadd.f32 v14, v12;
	v13 =	vmul.f32 v15, v5;
	v19 =	vmul.f32 v11, v7;
	v8 =	vmovc v15  }
0x4b: {  	vm0 =	vgt.f32 v2, $5.000000000e-01;
	v12 =	vld [tilespmem:s6+$0x7800];
	v15 =	vmul.f32 v9, v16;
	v11 =	vmul.f32 v18, v4;
	v4 =	vmovc v5;
	v5 =	vmovc v10  }
0x4c: {  	s7 =	sadd.s32 $0x40, s7;
	v2 =	vmovc v1;
	v1 =	vmovc v17;
	v7 =	vmov v18;
	v14 =	vld [tilespmem:s6+$0x7A80];
	v13 =	vmul.f32 v13, v8;
	v10 =	vnsel vm0, $0x0, v19  }
0x4d: {  	_ =	sdelay $0x3  }
0x4e: {  	v12 =	vadd.f32 v14, v12  }
0x4f: {  	v16 =	vmax.f32 v6, $1.000000000e+00  }
0x50: {  	v52 =	vshrl.u32 v16, $0x1;
	v16 =	vmul.f32 $5.000000000e-01, v16;
	v17 =	vmax.f32 v12, $1.000000000e+00  }
0x51: {  	v14 =	vsub.s32 $0x5F3759DF, v52;
	v19 =	vshrl.u32 v17, $0x1;
	v17 =	vmul.f32 $5.000000000e-01, v17  }
0x52: {  	v18 =	vmul.f32 v14, v16;
	v19 =	vsub.s32 $0x5F3759DF, v19  }
0x53: {  	v20 =	vmul.f32 v19, v17  }
0x54: {  	v18 =	vmul.f32 v14, v18  }
0x55: {  	v15 =	vsub.f32 $1.500000000e+00, v15;
	v20 =	vmul.f32 v19, v20  }
0x56: {  	v18 =	vsub.f32 $1.500000000e+00, v18  }
0x57: {  	v9 =	vmul.f32 v9, v15;
	v53 =	vsub.f32 $1.500000000e+00, v20  }
0x58: {  	v14 =	vmul.f32 v14, v18  }
0x59: {  	v54 =	vmul.f32 v9, v5;
	v15 =	vmul.f32 v19, v53  }
0x5a: {  	v55 =	vmul.f32 v14, v16  }
0x5b: {  	v18 =	vmul.f32 v54, v9;
	v57 =	vmul.f32 v15, v17  }
0x5c: {  	v13 =	vsub.f32 $1.500000000e+00, v13;
	v56 =	vmul.f32 v55, v14  }
0x5d: {  	v18 =	vsub.f32 $1.500000000e+00, v18;
	v20 =	vmul.f32 v57, v15  }
0x5e: {  	v8 =	vmul.f32 v13, v8;
	v19 =	vsub.f32 $1.500000000e+00, v56  }
0x5f: {  	v11 =	vmul.f32 v11, v7;
	v9 =	vmul.f32 v18, v9;
	v59 =	vsub.f32 $1.500000000e+00, v20  }
0x60: {  	v4 =	vmul.f32 v8, v4;
	v58 =	vmul.f32 v19, v14  }
0x61: {  	v5 =	vmul.f32 v9, v5;
	v14 =	vmul.f32 v59, v15  }
0x62: {  	v4 =	vmul.f32 v4, v8;
	v60 =	vmul.f32 v58, v16  }
0x63: {  	v11 =	vsub.f32 $1.500000000e+00, v11;
	v5 =	vmul.f32 v5, v9;
	v61 =	vmul.f32 v14, v17  }
0x64: {  	vm0 =	vgt.f32 v2, $5.000000000e-01;
	v4 =	vsub.f32 $1.500000000e+00, v4;
	v62 =	vmul.f32 v60, v58  }
0x65: {  	v7 =	vmul.f32 v11, v7;
	v2 =	vsub.f32 $1.500000000e+00, v5;
	v5 =	vmul.f32 v61, v14  }
0x66: {  	vm12 =	vgt.f32 v1, $5.000000000e-01;
	v4 =	vmul.f32 v4, v8;
	v63 =	vsub.f32 $1.500000000e+00, v62  }
0x67: {  	[tilespmem:s23+$0x7F80] =	vst v10;
	v7 =	vnsel vm0, $0x0, v7;
	v1 =	vmul.f32 v2, v9;
	v2 =	vsub.f32 $1.500000000e+00, v5  }
0x68: {  	vm13 =	vgt.f32 v3, $5.000000000e-01;
	[tilespmem:s1+$0x7F80] =	vst v7;
	v4 =	vnsel vm12, $0x0, v4;
	v3 =	vmul.f32 v63, v58  }
0x69: {  	vm14 =	vgt.f32 v6, $5.000000000e-01;
	[tilespmem:s25+$0x7F80] =	vst v4;
	v1 =	vnsel vm13, $0x0, v1;
	v2 =	vmul.f32 v2, v14  }
0x6a: {  	vm15 =	vgt.f32 v12, $5.000000000e-01;
	[tilespmem:s2+$0x7F80] =	vst v1;
	v1 =	vnsel vm14, $0x0, v3  }
0x6b: {  	[tilespmem:s3+$0x7F80] =	vst v1;
	v1 =	vnsel vm15, $0x0, v2  }
0x6c: {  	s25 =	simm.s32 $0x0;
	[tilespmem:s6+$0x7F80] =	vst v1  }
0x6d: {  	[tilespmem:s20], [sflag:$0x2] =	stream.linear.gather [hbm4b:s11+s25], $0x280, $0x38;
	[tilespmem:$0x8700] =	vst v63  }
0x6e: {  	_ = 	snop  }
0x6f: {  	[tilespmem:s21], [sflag:$0x2] =	stream.linear.gather [hbm4b:s12+s25], $0x280, $0x38;
	[tilespmem:$0x8700] =	vst v63  }
0x70: {  	_ =	swait.ge [sflag:s22], $0x280  }
0x71: {  	[sflag:s22] =	ssyncset.done $0x0  }
0x72: {  	[sflag:s22] =	ssyncadd.s32 $0xFFFFFD80  }
0x73: {  	_ =	swait.ge [sflag:s22], $0x280  }
0x74: {  	[sflag:s22] =	ssyncset.done $0x0  }
0x75: {  	s1 =	simm.s32 $0x0;
	[sflag:s22] =	ssyncadd.s32 $0xFFFFFD80  }
0x76: {  	v1 =	vld [tilespmem:s1+$0x7F80]  }
0x77: {  	v3 =	vld [tilespmem:s1+$0x7800]  }
0x78: {  	v4 =	vld [tilespmem:s1+$0x7A80];
	_ =	sdelay $0x2  }
0x79: {  	s2 =	simm.s32 $0x10  }
0x7a: {  	v2 =	vld [tilespmem:s2+$0x7F80]  }
0x7b: {  	v5 =	vmul.f32 v1, v1;
	v4 =	vadd.f32 v4, v3;
	v1 =	vld [tilespmem:s2+$0x7800]  }
0x7c: {  	v3 =	vld [tilespmem:s2+$0x7A80]  }
0x7d: {  	s3 =	simm.s32 $0x80;
	v4 =	vmul.f32 v4, v5  }
.LBB2_4:
0x7e: {  	p0 =	sne.s32 s3, $0x9C0  }
.Ltmp1:
0x7f: {  	[tilespmem:s1+$0x7D00] =	vst v4;
	v4 =	vmov v2;
	s1 =	smov.u32 s2;
	s2 =	sshra.s32 s3, $0x2;
	(pc) =	sbr.rel @p0 .LBB2_4-.Ltmp1, $4  }
0x80: {  	v2 =	vld [tilespmem:s2+$0x7F80]  }
0x81: {  	s3 =	sadd.s32 $0x40, s3;
	v4 =	vmul.f32 v4, v4;
	v5 =	vadd.f32 v3, v1;
	v1 =	vld [tilespmem:s2+$0x7800]  }
0x82: {  	v3 =	vld [tilespmem:s2+$0x7A80]  }
0x83: {  	v4 =	vmul.f32 v5, v4  }
0x84: {  	_ =	sdelay $0x2  }
0x85: {  	v2 =	vmul.f32 v2, v2;
	v1 =	vadd.f32 v3, v1;
	_ =	sdelay $0x1  }
0x86: {  	v1 =	vmul.f32 v1, v2  }
0x87: {  	[tilespmem:s1+$0x7D00] =	vst v4  }
0x88: {  	[tilespmem:s2+$0x7D00] =	vst v1;
	s2 =	simm.s32 $0x7D00  }
0x89: {  	[spmem:s13] =	stream.linear.scatter [tilespmem:s2], [sflag:$0x4], $0x280, $0x38;
	[tilespmem:$0x8700] =	vst v63  }
0x8a: {  	_ =	swait.ge [sflag:s24], $0x280  }
0x8b: {  	[sflag:s24] =	ssyncset.done $0x0  }
0x8c: {  	[sflag:s24] =	ssyncadd.s32 $0xFFFFFD80  }
0x8d: {  	[tilespmem:$0x7F80] =	vst v0  }
0x8e: {  	[tilespmem:$0x7F90] =	vst v0  }
0x8f: {  	[tilespmem:$0x7FA0] =	vst v0  }
0x90: {  	[tilespmem:$0x7FB0] =	vst v0  }
0x91: {  	[tilespmem:$0x7FC0] =	vst v0  }
0x92: {  	[tilespmem:$0x7FD0] =	vst v0  }
0x93: {  	[tilespmem:$0x7FE0] =	vst v0  }
0x94: {  	[tilespmem:$0x7FF0] =	vst v0  }
0x95: {  	[tilespmem:$0x8000] =	vst v0  }
0x96: {  	[tilespmem:$0x8010] =	vst v0  }
0x97: {  	[tilespmem:$0x8020] =	vst v0  }
0x98: {  	[tilespmem:$0x8030] =	vst v0  }
0x99: {  	[tilespmem:$0x8040] =	vst v0  }
0x9a: {  	[tilespmem:$0x8050] =	vst v0  }
0x9b: {  	[tilespmem:$0x8060] =	vst v0  }
0x9c: {  	[tilespmem:$0x8070] =	vst v0  }
0x9d: {  	[tilespmem:$0x8080] =	vst v0  }
0x9e: {  	[tilespmem:$0x8090] =	vst v0  }
0x9f: {  	[tilespmem:$0x80A0] =	vst v0  }
0xa0: {  	[tilespmem:$0x80B0] =	vst v0  }
0xa1: {  	[tilespmem:$0x80C0] =	vst v0  }
0xa2: {  	[tilespmem:$0x80D0] =	vst v0  }
0xa3: {  	[tilespmem:$0x80E0] =	vst v0  }
0xa4: {  	[tilespmem:$0x80F0] =	vst v0  }
0xa5: {  	[tilespmem:$0x8100] =	vst v0  }
0xa6: {  	[tilespmem:$0x8110] =	vst v0  }
0xa7: {  	[tilespmem:$0x8120] =	vst v0  }
0xa8: {  	[tilespmem:$0x8130] =	vst v0  }
0xa9: {  	[tilespmem:$0x8140] =	vst v0  }
0xaa: {  	[tilespmem:$0x8150] =	vst v0  }
0xab: {  	[tilespmem:$0x8160] =	vst v0  }
0xac: {  	[tilespmem:$0x8170] =	vst v0  }
0xad: {  	[tilespmem:$0x8180] =	vst v0  }
0xae: {  	[tilespmem:$0x8190] =	vst v0  }
0xaf: {  	[tilespmem:$0x81A0] =	vst v0  }
0xb0: {  	[tilespmem:$0x81B0] =	vst v0  }
0xb1: {  	[tilespmem:$0x81C0] =	vst v0  }
0xb2: {  	[tilespmem:$0x81D0] =	vst v0  }
0xb3: {  	[tilespmem:$0x81E0] =	vst v0  }
0xb4: {  	s3 =	simm.s32 $0x7F80;
	[tilespmem:$0x81F0] =	vst v0  }
0xb5: {  	[spmem:s14] =	stream.linear.scatter [tilespmem:s3], [sflag:$0x4], $0x280, $0x38;
	[tilespmem:$0x8700] =	vst v63  }
0xb6: {  	_ =	swait.ge [sflag:s24], $0x280  }
0xb7: {  	[sflag:s24] =	ssyncset.done $0x0  }
0xb8: {  	[sflag:s24] =	ssyncadd.s32 $0xFFFFFD80  }
0xb9: {  	_ =	swait.ge [sflag:s26], $0x1388  }
0xba: {  	[sflag:s26] =	ssyncset.done $0x0  }
0xbb: {  	[sflag:s26] =	ssyncadd.s32 $0xFFFFEC78  }
0xbc: {  	_ =	swait.ge [sflag:s26], $0x1388  }
0xbd: {  	[sflag:s26] =	ssyncset.done $0x0  }
0xbe: {  	[sflag:s26] =	ssyncadd.s32 $0xFFFFEC78  }
0xbf: {  	_ =	swait.ge [sflag:s26], $0x1388  }
0xc0: {  	[sflag:s26] =	ssyncset.done $0x0  }
0xc1: {  	[sflag:s26] =	ssyncadd.s32 $0xFFFFEC78  }
0xc2: {  	_ =	swait.ge [sflag:s26], $0x1388  }
0xc3: {  	[sflag:s26] =	ssyncset.done $0x0  }
0xc4: {  	[sflag:s26] =	ssyncadd.s32 $0xFFFFEC78  }
0xc5: {  	[bflag:$0x0] =	sbarrier.arrive $0xFFFF  }
0xc6: {  	s6 =	rddreg [dreg:$0x1]  }
0xc7: {  	[tilespmem:s29], [sflag:$0x3] =	stream.indirect.gather [spmem:s6], $0x1, s18, s28, $0xb8;
	[tilespmem:$0x8700] =	vst v63  }
0xc8: {  	_ =	swait.ge [sflag:s30], $0x1388  }
0xc9: {  	[sflag:s30] =	ssyncset.done $0x0  }
0xca: {  	[sflag:s30] =	ssyncadd.s32 $0xFFFFEC78  }
0xcb: {  	[tilespmem:s31], [sflag:$0x3] =	stream.indirect.gather [spmem:s6], $0x1, s19, s28, $0xb8;
	[tilespmem:$0x8700] =	vst v63  }
0xcc: {  	s7 =	rddreg [dreg:$0x2]  }
0xcd: {  	[spmem:s7] =	stream.indirect.scatter.add.f32 [tilespmem:s29], [sflag:$0x4], $0x1, s4, s28, $0xb8;
	[tilespmem:$0x8700] =	vst v63  }
0xce: {  	_ =	swait.ge [sflag:s24], $0x1388  }
0xcf: {  	[sflag:s24] =	ssyncset.done $0x0  }
0xd0: {  	[sflag:s24] =	ssyncadd.s32 $0xFFFFEC78  }
0xd1: {  	_ =	swait.ge [sflag:s30], $0x1388  }
0xd2: {  	[sflag:s30] =	ssyncset.done $0x0  }
0xd3: {  	[sflag:s30] =	ssyncadd.s32 $0xFFFFEC78  }
0xd4: {  	[spmem:s7] =	stream.indirect.scatter.add.f32 [tilespmem:s31], [sflag:$0x4], $0x1, s17, s28, $0xb8;
	[tilespmem:$0x8700] =	vst v63  }
0xd5: {  	s23 =	stileid.u32;
	_ =	swait.ge [sflag:s24], $0x1388  }
0xd6: {  	s25 =	sshrl.u32 s14, $0x3;
	s0 =	sadd.s32 $0x1, s0;
	[sflag:s24] =	ssyncset.done $0x0  }
0xd7: {  	s1 =	sshll.u32 s23, $0x6;
	p0 =	sne.s32 s0, s16;
	[sflag:s24] =	ssyncadd.s32 $0xFFFFEC78  }
.Ltmp2:
0xd8: {  	s1 =	sor.u32 $0x1C04, s1;
	[bflag:$0x0] =	sbarrier.arrive $0xFFFF;
	(pc) =	sbr.rel @p0 .LBB2_1-.Ltmp2, $4  }
0xd9: {  	[hbm:s15], [sflag:s1] =	dma.local [spmem:s25], $0x50  }
0xda: {  	_ =	swait.ge [sflag:s24], $0x50  }
0xdb: {  	[sflag:s24] =	ssyncset.done $0x0  }
0xdc: {  	[sflag:s24] =	ssyncadd.s32 $0xFFFFFFB0  }
0xdd: {  	_ =	sfence.sel $0x180000  }
0xde: {  	[bflag:$0x0] =	sbarrier.arrive $0xFFFF  }
0xdf: {  	_ =	strace $0x9000004D  }
0xe0: {  	s0 =	stileid.u32;
	[bflag:$0x2] =	sbarrier.arrive $0xFFFF  }
0xe1: {  	p0 =	sne.s32 s0, $0x0;
	s0 =	rddreg [dreg:$0x3]  }
0xe2: {  	s0 =	sadd.s32 @!p0 $0x100000, s0  }
0xe3: {  	[sflag:s0] =	ssyncadd.tile.s32 @!p0 $0x1;
	_ =	shalt  }
.Lfunc_end2:
_tile_overlayer_lowered:
.L_overlay_start_2:
0xe4: {  	(tag) =	ssettag $0x2  }
0xe5: {  	s0 =	rddreg [dreg:$0x0];
	s2 =	stileid.u32  }
0xe6: {  	s1 =	rddreg [dreg:$0x1];
	p0 =	sne.s32 s2, $0x0  }
0xe7: {  	s3 =	rddreg [dreg:$0x2];
	[bflag:$0x3] =	sbarrier.arrive $0xFFFF;
	s2 =	simm.s32 @!p0 $0x1C04  }
0xe8: {  	[timem:s3], [sflag:s2] =	dma.local @!p0 [hbm:s0], s1  }
0xe9: {  	s0 =	simm.s32 @!p0 $0x4  }
0xea: {  	_ =	swait.ge @!p0 [sflag:s0], s1  }
0xeb: {  	s1 =	ssub.s32 @!p0 $0x0, s1;
	[sflag:s0] =	ssyncset.done @!p0 $0x0  }
0xec: {  	[sflag:s0] =	ssyncadd.s32 @!p0 s1  }
0xed: {  	[bflag:$0x3] =	sbarrier.arrive $0xFFFF  }
0xee: {  	_ =	shalt  }

// kernel: kernel.6.cloned.1.call-start
scs
__scs_entry_jumppad:
0x0: {  	(pc) =	sbr.rel $0x88, $3  }
0x1: {  	(tag) =	ssettag $0x0;
	lr =	simm.s32 $0x1  }
0x2: {  	[smem:$0x3F9B] =	sst lr;
	_ =	strace $0xD0000000  }
0x3: {  	_ = 	snop  }
0x4: {  	_ = 	snop  }
0x5: {  	_ = 	snop  }
0x6: {  	_ = 	snop  }
0x7: {  	_ = 	snop  }
__scs_overlays_trampoline_lowered:
0x8: {  	[smem:$0x3FAA] =	sst s0  }
0x9: {  	[smem:$0x3FAB] =	sst s1  }
0xa: {  	[smem:$0x3FAC] =	sst s2  }
0xb: {  	[smem:$0x3FAD] =	sst s3  }
0xc: {  	[smem:$0x3FAE] =	sst s4  }
0xd: {  	[smem:$0x3FAF] =	sst s5  }
0xe: {  	[smem:$0x3FB0] =	sst s6  }
0xf: {  	[smem:$0x3FB1] =	sst s7  }
0x10: {  	[smem:$0x3FB2] =	sst s8  }
0x11: {  	[smem:$0x3FB3] =	sst s9;
	s0 =	simm.s32 @!p0 $0x0  }
0x12: {  	s1 =	sld [smem:$0x3F99];
	s0 =	simm.s32 @p0 $0x1  }
0x13: {  	[smem:$0x3FB4] =	sst s0;
	s0 =	simm.s32 @!p1 $0x0  }
0x14: {  	s2 =	sld [smem:$0x3F98];
	s0 =	simm.s32 @p1 $0x1  }
0x15: {  	[smem:$0x3FB5] =	sst s0;
	s0 =	simm.s32 @!p2 $0x0  }
0x16: {  	s3 =	sld [smem:$0x3FDB];
	s0 =	simm.s32 @p2 $0x1  }
0x17: {  	s4 =	simm.s32 $0x1BF5;
	[smem:$0x3FB7] =	sst s0  }
0x18: {  	s0 =	sld [smem:$0x3F9A];
	_ =	swait.ge [sflag:s4], $0x0  }
0x19: {  	s7 =	sld [smem:$0x3F9B]  }
0x1a: {  	s8 =	sadd.s32 $0xFFFFE003, lr  }
0x1b: {  	s9 =	sadd.s32 $0xFFFFFEF7, lr;
	s5 =	simm.s32 $0xFFFFFFFF;
	p2 =	slt.u32 s8, $0xFFFFF086  }
0x1c: {  	p1 =	slt.u32 s9, $0xF7A;
	s5 =	simm.s32 @!p2 $0x0  }
0x1d: {  	s5 =	simm.s32 @p1 $0x1;
	p0 =	seq.s32 s7, s2  }
0x1e: {  	s7 =	smul.u32 @!p0 $0xF7A, s2;
	p2 =	seq.s32 @!p0 s5, $0x0  }
0x1f: {  	s9 =	smul.u32 $0xF7A, s1;
	s8 =	simm.s32 @!p0 $0x1BF5;
	p2 =	por !p2, p0  }
0x20: {  	[sflag:s8] =	ssyncset.s32 @!p0 $0xFFFFF086;
	s6 =	sadd.s32 @!p0 s3, s7;
	s7 =	simm.s32 @!p0 $0x108  }
0x21: {  	s3 =	sadd.s32 s3, s9;
	s6 =	sadd.s32 @!p0 $0x88, s6;
	s7 =	simm.s32 @p2 $0x1082  }
0x22: {  	[simem:s7], [sflag:s8] =	dma.local @!p0 [hbm:s6], $0xF7A  }
0x23: {  	s9 =	sor.u32 $0xD0000000, s2;
	s6 =	simm.s32 $0x108;
	_ =	swait.ge @!p0 [sflag:s8], $0x0  }
0x24: {  	s3 =	sadd.s32 $0x88, s3;
	s6 =	simm.s32 @!p1 $0x1082;
	[sflag:s4] =	ssyncset.s32 $0xFFFFF086  }
0x25: {  	[simem:s6], [sflag:s4] =	dma.local [hbm:s3], $0xF7A  }
0x26: {  	[smem:$0x3F9B] =	sst s1;
	(tag) =	ssettag s2;
	_ =	strace s9  }
0x27: {  	s1 =	sld [smem:$0x3FAB]  }
0x28: {  	s2 =	sld [smem:$0x3FAC]  }
0x29: {  	s4 =	sld [smem:$0x3FAE]  }
0x2a: {  	p0 =	seq.s32 s5, $0x0;
	s5 =	sld [smem:$0x3FAF]  }
0x2b: {  	s6 =	sld [smem:$0x3FB0]  }
0x2c: {  	s7 =	sld [smem:$0x3FB1]  }
0x2d: {  	s3 =	simm.s32 $0x108;
	s8 =	sld [smem:$0x3FB2]  }
0x2e: {  	s3 =	simm.s32 @!p0 $0x1082;
	s9 =	sld [smem:$0x3FB3]  }
0x2f: {  	lr =	sadd.s32 s0, s3;
	s0 =	sld [smem:$0x3FAA]  }
0x30: {  	s3 =	sld [smem:$0x3FAD]  }
0x31: {  	[smem:$0x3FB6] =	sst s10  }
0x32: {  	s10 =	sld [smem:$0x3FB4];
	_ =	sdelay $0x3  }
0x33: {  	p0 =	seq.s32 s10, $0x1;
	s10 =	sld [smem:$0x3FB6];
	_ =	sdelay $0x3  }
0x34: {  	[smem:$0x3FB6] =	sst s10  }
0x35: {  	s10 =	sld [smem:$0x3FB5];
	_ =	sdelay $0x3  }
0x36: {  	p1 =	seq.s32 s10, $0x1;
	s10 =	sld [smem:$0x3FB6];
	_ =	sdelay $0x3  }
0x37: {  	[smem:$0x3FB6] =	sst s10  }
0x38: {  	s10 =	sld [smem:$0x3FB7]  }
0x39: {  	_ = 	snop;
	(pc) =	sbr.ind lr, $3  }
0x3a: {  	_ = 	snop  }
0x3b: {  	_ = 	snop  }
0x3c: {  	p2 =	seq.s32 s10, $0x1;
	s10 =	sld [smem:$0x3FB6]  }
0x3d: {  	_ =	shalt  }
0x3e: {  	_ =	shalt  }
0x3f: {  	_ =	shalt  }
0x40: {  	_ =	shalt  }
0x41: {  	_ =	shalt  }
0x42: {  	_ =	shalt  }
0x43: {  	_ =	shalt  }
0x44: {  	_ =	shalt  }
0x45: {  	_ =	shalt  }
0x46: {  	_ =	shalt  }
0x47: {  	_ =	shalt  }
0x48: {  	_ =	shalt  }
0x49: {  	_ =	shalt  }
0x4a: {  	_ =	shalt  }
0x4b: {  	_ =	shalt  }
0x4c: {  	_ =	shalt  }
0x4d: {  	_ =	shalt  }
0x4e: {  	_ =	shalt  }
0x4f: {  	_ =	shalt  }
0x50: {  	_ =	shalt  }
0x51: {  	_ =	shalt  }
0x52: {  	_ =	shalt  }
0x53: {  	_ =	shalt  }
0x54: {  	_ =	shalt  }
0x55: {  	_ =	shalt  }
0x56: {  	_ =	shalt  }
0x57: {  	_ =	shalt  }
0x58: {  	_ =	shalt  }
0x59: {  	_ =	shalt  }
0x5a: {  	_ =	shalt  }
0x5b: {  	_ =	shalt  }
0x5c: {  	_ =	shalt  }
0x5d: {  	_ =	shalt  }
0x5e: {  	_ =	shalt  }
0x5f: {  	_ =	shalt  }
0x60: {  	_ =	shalt  }
0x61: {  	_ =	shalt  }
0x62: {  	_ =	shalt  }
0x63: {  	_ =	shalt  }
0x64: {  	_ =	shalt  }
0x65: {  	_ =	shalt  }
0x66: {  	_ =	shalt  }
0x67: {  	_ =	shalt  }
0x68: {  	_ =	shalt  }
0x69: {  	_ =	shalt  }
0x6a: {  	_ =	shalt  }
0x6b: {  	_ =	shalt  }
0x6c: {  	_ =	shalt  }
0x6d: {  	_ =	shalt  }
0x6e: {  	_ =	shalt  }
0x6f: {  	_ =	shalt  }
0x70: {  	_ =	shalt  }
0x71: {  	_ =	shalt  }
0x72: {  	_ =	shalt  }
0x73: {  	_ =	shalt  }
0x74: {  	_ =	shalt  }
0x75: {  	_ =	shalt  }
0x76: {  	_ =	shalt  }
0x77: {  	_ =	shalt  }
0x78: {  	_ =	shalt  }
0x79: {  	_ =	shalt  }
0x7a: {  	_ =	shalt  }
0x7b: {  	_ =	shalt  }
0x7c: {  	_ =	shalt  }
0x7d: {  	_ =	shalt  }
0x7e: {  	_ =	shalt  }
0x7f: {  	_ =	shalt  }
0x80: {  	_ =	shalt  }
0x81: {  	_ =	shalt  }
0x82: {  	_ =	shalt  }
0x83: {  	_ =	shalt  }
0x84: {  	_ =	shalt  }
0x85: {  	_ =	shalt  }
0x86: {  	_ =	shalt  }
0x87: {  	_ =	shalt  }
.Lfunc_end0:
.L_simem_size_0:
called_computation_lowered:
.L_overlay_start_0:
0x88: {  	s2 =	sld [smem:$0x3FD9]  }
0x89: {  	s3 =	sld [smem:$0x3FFE];
	_ =	sdelay $0x1  }
0x8a: {  	s1 =	srdreg.scid  }
0x8b: {  	s0 =	sand.u32 $0x1, s1  }
0x8c: {  	s16 =	sshll.u32 s0, $0xA;
	s2 =	sadd.s32 s3, s2  }
0x8d: {  	s2 =	sadd.s32 s2, s16  }
0x8e: {  	[smem:$0x3FC2] =	sst s2  }
0x8f: {  	_ = 	snop  }
0x90: {  	(tm) =	ssettm $0x1  }
0x91: {  	s17 =	sld [smem:$0x3FFB];
	_ =	sdelay $0x3  }
0x92: {  	_ =	strace s17  }
0x93: {  	s2 =	sld [smem:$0x3FFC];
	_ =	sdelay $0x3  }
0x94: {  	_ =	strace s2  }
0x95: {  	s2 =	sld [smem:$0x3FFD];
	_ =	sdelay $0x3  }
0x96: {  	_ =	strace s2  }
0x97: {  	_ =	strace $0x8FFFFFFF  }
0x98: {  	s18 =	sld [smem:$0x3FDB];
	_ =	sdelay $0x1  }
0x99: {  	s19 =	simm.s32 $_scs_section_size  }
0x9a: {  	s4 =	simm.s32 $_size__tile_overlayer_lowered;
	s5 =	simm.s32 $_tile_overlayer_lowered  }
0x9b: {  	s22 =	simm.s32 $0x1BFF;
	s21 =	sshll.u32 s5, $0x1;
	s2 =	sadd.s32 s19, s18  }
0x9c: {  	s6 =	simm.s32 $0x0;
	s20 =	sshll.u32 s4, $0x1;
	s4 =	sadd.s32 s21, s2  }
0x9d: {  	[timem:s6], [sflag:s22] =	dma.local [hbm:s4], s20  }
0x9e: {  	_ =	swait.ge [sflag:s22], s20  }
0x9f: {  	s3 =	ssub.s32 $0x0, s20;
	[sflag:s22] =	ssyncset.done $0x0  }
0xa0: {  	[sflag:s22] =	ssyncadd.s32 s3;
	_ =	sdelay $0x1  }
0xa1: {  	s23 =	simm.s32 $0x1B8B  }
0xa2: {  	_ =	swait.ge [sflag:s23], $0x1  }
0xa3: {  	[sflag:s23] =	ssyncset.done $0x0  }
0xa4: {  	s25 =	simm.s32 $0x1B8E;
	s24 =	sld [smem:$0x3FFE];
	[sflag:s23] =	ssyncadd.s32 $0xFFFFFFFF  }
0xa5: {  	s26 =	simm.s32 $execute0_lowered;
	[smem:$0x3FD2] =	sst s25  }
0xa6: {  	s4 =	sshll.u32 s26, $0x1;
	_ =	strace $0x80000046;
	[dreg:$0x1] =	wrdreg $0xFFFFFFFF  }
0xa7: {  	s28 =	simm.s32 $_size_execute0_lowered;
	s2 =	sadd.s32 s2, s4;
	[dreg:$0x0] =	wrdreg $0x0  }
0xa8: {  	s4 =	sshll.u32 s28, $0x1;
	[dreg:$0x2] =	wrdreg s2  }
0xa9: {  	[dreg:$0x3] =	wrdreg s4  }
0xaa: {  	[dreg:$0x4] =	wrdreg $0xC0  }
0xab: {  	_ =	task [dreg:s6], $0x5FFFF  }
0xac: {  	[dreg:$0x1] =	wrdreg $0xFFFFFFFF  }
0xad: {  	[dreg:$0x0] =	wrdreg $0x60  }
0xae: {  	[dreg:$0x2] =	wrdreg s24  }
0xaf: {  	[dreg:$0x3] =	wrdreg $0x51800  }
0xb0: {  	[dreg:$0x4] =	wrdreg $0x9  }
0xb1: {  	_ =	task.clear_ibuf [dreg:s6], $0x5FFFF;
	_ =	strace $0x90000046  }
0xb2: {  	s29 =	simm.s32 $0x9;
	_ =	strace $0x80000048  }
0xb3: {  	_ =	swait.ge [sflag:s29], $0x1  }
0xb4: {  	[sflag:s29] =	ssyncadd.s32 $0xFFFFFFFF  }
0xb5: {  	_ =	strace $0x90000048  }
0xb6: {  	_ =	sfence  }
0xb7: {  	s30 =	sld [smem:$0x0];
	_ =	sdelay $0x2  }
0xb8: {  	s31 =	sshll.u32 s1, $0xD;
	s1 =	sshrl.u32 s1, $0x2  }
0xb9: {  	s3 =	sand.u32 $0x4000, s31;
	s1 =	sadd.s32 s1, s30  }
0xba: {  	s0 =	sor.u32 s3, s0;
	s1 =	sshll.u32 s1, $0x11  }
0xbb: {  	s0 =	sor.u32 s1, s0  }
0xbc: {  	s0 =	sadd.s32 $0x8F2B, s0  }
0xbd: {  	[sflag:s0] =	ssyncadd.remote.s32 $0x1  }
0xbe: {  	_ =	sfence.sel $0xFFFF  }
0xbf: {  	[dreg:$0x0] =	wrdreg $0xFFFFFFFF;
	(pc) =	sbr.abs _section_cstart, $3  }
0xc0: {  	[dreg:$0x1] =	wrdreg $0xFFFFFFFF  }
0xc1: {  	_ =	task.clear_ibuf [dreg:s6], $0x2FFFF;
	_ =	strace $0x9FFFFFFF  }
0xc2: {  	(tm) =	ssettm $0x7FFFFFFF  }
0xc3: {  	_ =	shalt  }
tec
execute0_lowered:
.L_overlay_start_1:
0x0: {  	(tag) =	ssettag $0x1  }
0x1: {  	s4 =	rddreg [dreg:$0x0]  }
0x2: {  	s2 =	rddreg [dreg:$0x1]  }
0x3: {  	s0 =	rddreg [dreg:$0x2]  }
0x4: {  	s3 =	srdreg.scid;
	s1 =	stileid.u32  }
0x5: {  	s10 =	simm.s32 $0x1;
	s11 =	simm.s32 $0x2710;
	s12 =	simm.s32 $0x2780  }
0x6: {  	s15 =	simm.s32 $0x0;
	s5 =	sand.u32 $0x1, s3;
	s6 =	smul.u32 $0x280, s1  }
0x7: {  	s7 =	sshll.u32 s1, $0x1;
	s3 =	simm.s32 $0x0;
	s13 =	sshll.u32 s1, $0x6  }
0x8: {  	s8 =	smul.u32 $0x2800, s5;
	s7 =	sor.u32 s5, s7;
	[smem:$0x7FF] =	sst s3  }
0x9: {  	s5 =	ssub.s32 $0x2, s5;
	s13 =	sor.u32 $0x1C02, s13;
	s7 =	smul.u32 $0x2710, s7  }
0xa: {  	_ =	strace $0x80000047;
	s9 =	sshrl.u32 s5, $0x1;
	s8 =	sadd.s32 s6, s8  }
0xb: {  	s9 =	ssub.s32 s5, s9;
	s7 =	sshrl.u32 s7, $0x3;
	s8 =	sshrl.u32 s8, $0x3  }
0xc: {  	s5 =	sadd.s32 s6, s2;
	s7 =	sadd.s32 s4, s7;
	s8 =	sadd.s32 s8, s4  }
0xd: {  	s14 =	sshrl.u32 s5, $0x3;
	s4 =	sadd.s32 $0xBE40, s7;
	s6 =	sadd.s32 $0x15C00, s8  }
0xe: {  	v0 =	vimm.f32 $0.0e+00;
	v1 =	vimm.f32 $1.000000000e+00;
	s7 =	smax.u32 s9, $0x1;
	s8 =	simm.s32 $0x4F00;
	s9 =	simm.s32 $0x2  }
.LBB2_1:
0xf: {  	[tilespmem:s3], [sflag:$0x1] =	stream.linear.gather [hbm4b:s4+s3], $0x2710, $0x38;
	[tilespmem:$0x5400] =	vst v63  }
0x10: {  	[tilespmem:$0x4F00] =	vst v0  }
0x11: {  	[tilespmem:$0x4F10] =	vst v0  }
0x12: {  	[tilespmem:$0x4F20] =	vst v0  }
0x13: {  	[tilespmem:$0x4F30] =	vst v0  }
0x14: {  	[tilespmem:$0x4F40] =	vst v0  }
0x15: {  	[tilespmem:$0x4F50] =	vst v0  }
0x16: {  	[tilespmem:$0x4F60] =	vst v0  }
0x17: {  	[tilespmem:$0x4F70] =	vst v0  }
0x18: {  	[tilespmem:$0x4F80] =	vst v0  }
0x19: {  	[tilespmem:$0x4F90] =	vst v0  }
0x1a: {  	[tilespmem:$0x4FA0] =	vst v0  }
0x1b: {  	[tilespmem:$0x4FB0] =	vst v0  }
0x1c: {  	[tilespmem:$0x4FC0] =	vst v0  }
0x1d: {  	[tilespmem:$0x4FD0] =	vst v0  }
0x1e: {  	[tilespmem:$0x4FE0] =	vst v0  }
0x1f: {  	[tilespmem:$0x4FF0] =	vst v0  }
0x20: {  	[tilespmem:$0x5000] =	vst v0  }
0x21: {  	[tilespmem:$0x5010] =	vst v0  }
0x22: {  	[tilespmem:$0x5020] =	vst v0  }
0x23: {  	[tilespmem:$0x5030] =	vst v0  }
0x24: {  	[tilespmem:$0x5040] =	vst v0  }
0x25: {  	[tilespmem:$0x5050] =	vst v0  }
0x26: {  	[tilespmem:$0x5060] =	vst v0  }
0x27: {  	[tilespmem:$0x5070] =	vst v0  }
0x28: {  	[tilespmem:$0x5080] =	vst v0  }
0x29: {  	[tilespmem:$0x5090] =	vst v0  }
0x2a: {  	[tilespmem:$0x50A0] =	vst v0  }
0x2b: {  	[tilespmem:$0x50B0] =	vst v0  }
0x2c: {  	[tilespmem:$0x50C0] =	vst v0  }
0x2d: {  	[tilespmem:$0x50D0] =	vst v0  }
0x2e: {  	[tilespmem:$0x50E0] =	vst v0  }
0x2f: {  	[tilespmem:$0x50F0] =	vst v0  }
0x30: {  	[tilespmem:$0x5100] =	vst v0  }
0x31: {  	[tilespmem:$0x5110] =	vst v0  }
0x32: {  	[tilespmem:$0x5120] =	vst v0  }
0x33: {  	[tilespmem:$0x5130] =	vst v0  }
0x34: {  	[tilespmem:$0x5140] =	vst v0  }
0x35: {  	[tilespmem:$0x5150] =	vst v0  }
0x36: {  	[tilespmem:$0x5160] =	vst v0  }
0x37: {  	[tilespmem:$0x5170] =	vst v0  }
0x38: {  	[spmem:s5] =	stream.linear.scatter [tilespmem:s8], [sflag:$0x2], $0x280, $0x38;
	[tilespmem:$0x5400] =	vst v63  }
0x39: {  	_ =	swait.ge [sflag:s9], $0x280  }
0x3a: {  	[sflag:s9] =	ssyncset.done $0x0  }
0x3b: {  	s16 =	simm.s32 $0x40;
	s17 =	simm.s32 $0x0;
	[sflag:s9] =	ssyncadd.s32 $0xFFFFFD80  }
.LBB2_2:
0x3c: {  	p0 =	sne.s32 s16, $0x9C00;
	[tilespmem:s17+$0x2780] =	vst v1;
	s17 =	smov.u32 s16;
	s16 =	sadd.s32 $0x40, s16  }
.Ltmp0:
0x3d: {  	(pc) =	sbr.rel @p0 .LBB2_2-.Ltmp0, $2  }
0x3e: {  	_ =	sdelay $0x2  }
0x3f: {  	s17 =	sshra.s32 s17, $0x2  }
0x40: {  	[tilespmem:s17+$0x2780] =	vst v1  }
0x41: {  	_ =	swait.ge [sflag:s10], $0x2710  }
0x42: {  	[sflag:s10] =	ssyncset.done $0x0  }
0x43: {  	[sflag:s10] =	ssyncadd.s32 $0xFFFFD8F0  }
0x44: {  	[bflag:$0x0] =	sbarrier.arrive $0xFFFF  }
0x45: {  	[spmem:s2] =	stream.indirect.scatter.add.f32 [tilespmem:s12], [sflag:$0x2], $0x1, s3, s11, $0xb8;
	[tilespmem:$0x5400] =	vst v63  }
0x46: {  	_ =	swait.ge [sflag:s9], $0x2710  }
0x47: {  	s15 =	sadd.s32 $0x1, s15;
	[sflag:s9] =	ssyncset.done $0x0  }
0x48: {  	p0 =	sne.s32 s15, s7;
	[sflag:s9] =	ssyncadd.s32 $0xFFFFD8F0  }
.Ltmp1:
0x49: {  	[bflag:$0x0] =	sbarrier.arrive $0xFFFF;
	(pc) =	sbr.rel @p0 .LBB2_1-.Ltmp1, $4  }
0x4a: {  	[hbm:s6], [sflag:s13] =	dma.local [spmem:s14], $0x50  }
0x4b: {  	_ =	swait.ge [sflag:s9], $0x50  }
0x4c: {  	[sflag:s9] =	ssyncset.done $0x0  }
0x4d: {  	[sflag:s9] =	ssyncadd.s32 $0xFFFFFFB0  }
0x4e: {  	_ =	sfence.sel $0x180000  }
0x4f: {  	[bflag:$0x0] =	sbarrier.arrive $0xFFFF  }
0x50: {  	p0 =	sne.s32 s1, $0x0;
	_ =	strace $0x90000047  }
0x51: {  	s0 =	sadd.s32 @!p0 $0x100000, s0;
	[bflag:$0x2] =	sbarrier.arrive $0xFFFF  }
0x52: {  	[sflag:s0] =	ssyncadd.tile.s32 @!p0 $0x1;
	_ =	shalt  }
.Lfunc_end2:
_tile_overlayer_lowered:
.L_overlay_start_2:
0x53: {  	(tag) =	ssettag $0x2  }
0x54: {  	s0 =	rddreg [dreg:$0x0];
	s2 =	stileid.u32  }
0x55: {  	s1 =	rddreg [dreg:$0x1];
	p0 =	sne.s32 s2, $0x0  }
0x56: {  	s3 =	rddreg [dreg:$0x2];
	[bflag:$0x3] =	sbarrier.arrive $0xFFFF;
	s2 =	simm.s32 @!p0 $0x1C02  }
0x57: {  	[timem:s3], [sflag:s2] =	dma.local @!p0 [hbm:s0], s1  }
0x58: {  	s0 =	simm.s32 @!p0 $0x2  }
0x59: {  	_ =	swait.ge @!p0 [sflag:s0], s1  }
0x5a: {  	s1 =	ssub.s32 @!p0 $0x0, s1;
	[sflag:s0] =	ssyncset.done @!p0 $0x0  }
0x5b: {  	[sflag:s0] =	ssyncadd.s32 @!p0 s1  }
0x5c: {  	[bflag:$0x3] =	sbarrier.arrive $0xFFFF  }
0x5d: {  	_ =	shalt  }

// kernel: kernel.9.cloned.1.call-start
scs
__scs_entry_jumppad:
0x0: {  	(pc) =	sbr.rel $0x88, $3  }
0x1: {  	(tag) =	ssettag $0x0;
	lr =	simm.s32 $0x1  }
0x2: {  	[smem:$0x3F9B] =	sst lr;
	_ =	strace $0xD0000000  }
0x3: {  	_ = 	snop  }
0x4: {  	_ = 	snop  }
0x5: {  	_ = 	snop  }
0x6: {  	_ = 	snop  }
0x7: {  	_ = 	snop  }
__scs_overlays_trampoline_lowered:
0x8: {  	[smem:$0x3FAA] =	sst s0  }
0x9: {  	[smem:$0x3FAB] =	sst s1  }
0xa: {  	[smem:$0x3FAC] =	sst s2  }
0xb: {  	[smem:$0x3FAD] =	sst s3  }
0xc: {  	[smem:$0x3FAE] =	sst s4  }
0xd: {  	[smem:$0x3FAF] =	sst s5  }
0xe: {  	[smem:$0x3FB0] =	sst s6  }
0xf: {  	[smem:$0x3FB1] =	sst s7  }
0x10: {  	[smem:$0x3FB2] =	sst s8  }
0x11: {  	[smem:$0x3FB3] =	sst s9;
	s0 =	simm.s32 @!p0 $0x0  }
0x12: {  	s1 =	sld [smem:$0x3F99];
	s0 =	simm.s32 @p0 $0x1  }
0x13: {  	[smem:$0x3FB4] =	sst s0;
	s0 =	simm.s32 @!p1 $0x0  }
0x14: {  	s2 =	sld [smem:$0x3F98];
	s0 =	simm.s32 @p1 $0x1  }
0x15: {  	[smem:$0x3FB5] =	sst s0;
	s0 =	simm.s32 @!p2 $0x0  }
0x16: {  	s3 =	sld [smem:$0x3FDB];
	s0 =	simm.s32 @p2 $0x1  }
0x17: {  	s4 =	simm.s32 $0x1BF5;
	[smem:$0x3FB7] =	sst s0  }
0x18: {  	s0 =	sld [smem:$0x3F9A];
	_ =	swait.ge [sflag:s4], $0x0  }
0x19: {  	s7 =	sld [smem:$0x3F9B]  }
0x1a: {  	s8 =	sadd.s32 $0xFFFFE003, lr  }
0x1b: {  	s9 =	sadd.s32 $0xFFFFFEF7, lr;
	s5 =	simm.s32 $0xFFFFFFFF;
	p2 =	slt.u32 s8, $0xFFFFF086  }
0x1c: {  	p1 =	slt.u32 s9, $0xF7A;
	s5 =	simm.s32 @!p2 $0x0  }
0x1d: {  	s5 =	simm.s32 @p1 $0x1;
	p0 =	seq.s32 s7, s2  }
0x1e: {  	s7 =	smul.u32 @!p0 $0xF7A, s2;
	p2 =	seq.s32 @!p0 s5, $0x0  }
0x1f: {  	s9 =	smul.u32 $0xF7A, s1;
	s8 =	simm.s32 @!p0 $0x1BF5;
	p2 =	por !p2, p0  }
0x20: {  	[sflag:s8] =	ssyncset.s32 @!p0 $0xFFFFF086;
	s6 =	sadd.s32 @!p0 s3, s7;
	s7 =	simm.s32 @!p0 $0x108  }
0x21: {  	s3 =	sadd.s32 s3, s9;
	s6 =	sadd.s32 @!p0 $0x88, s6;
	s7 =	simm.s32 @p2 $0x1082  }
0x22: {  	[simem:s7], [sflag:s8] =	dma.local @!p0 [hbm:s6], $0xF7A  }
0x23: {  	s9 =	sor.u32 $0xD0000000, s2;
	s6 =	simm.s32 $0x108;
	_ =	swait.ge @!p0 [sflag:s8], $0x0  }
0x24: {  	s3 =	sadd.s32 $0x88, s3;
	s6 =	simm.s32 @!p1 $0x1082;
	[sflag:s4] =	ssyncset.s32 $0xFFFFF086  }
0x25: {  	[simem:s6], [sflag:s4] =	dma.local [hbm:s3], $0xF7A  }
0x26: {  	[smem:$0x3F9B] =	sst s1;
	(tag) =	ssettag s2;
	_ =	strace s9  }
0x27: {  	s1 =	sld [smem:$0x3FAB]  }
0x28: {  	s2 =	sld [smem:$0x3FAC]  }
0x29: {  	s4 =	sld [smem:$0x3FAE]  }
0x2a: {  	p0 =	seq.s32 s5, $0x0;
	s5 =	sld [smem:$0x3FAF]  }
0x2b: {  	s6 =	sld [smem:$0x3FB0]  }
0x2c: {  	s7 =	sld [smem:$0x3FB1]  }
0x2d: {  	s3 =	simm.s32 $0x108;
	s8 =	sld [smem:$0x3FB2]  }
0x2e: {  	s3 =	simm.s32 @!p0 $0x1082;
	s9 =	sld [smem:$0x3FB3]  }
0x2f: {  	lr =	sadd.s32 s0, s3;
	s0 =	sld [smem:$0x3FAA]  }
0x30: {  	s3 =	sld [smem:$0x3FAD]  }
0x31: {  	[smem:$0x3FB6] =	sst s10  }
0x32: {  	s10 =	sld [smem:$0x3FB4];
	_ =	sdelay $0x3  }
0x33: {  	p0 =	seq.s32 s10, $0x1;
	s10 =	sld [smem:$0x3FB6];
	_ =	sdelay $0x3  }
0x34: {  	[smem:$0x3FB6] =	sst s10  }
0x35: {  	s10 =	sld [smem:$0x3FB5];
	_ =	sdelay $0x3  }
0x36: {  	p1 =	seq.s32 s10, $0x1;
	s10 =	sld [smem:$0x3FB6];
	_ =	sdelay $0x3  }
0x37: {  	[smem:$0x3FB6] =	sst s10  }
0x38: {  	s10 =	sld [smem:$0x3FB7]  }
0x39: {  	_ = 	snop;
	(pc) =	sbr.ind lr, $3  }
0x3a: {  	_ = 	snop  }
0x3b: {  	_ = 	snop  }
0x3c: {  	p2 =	seq.s32 s10, $0x1;
	s10 =	sld [smem:$0x3FB6]  }
0x3d: {  	_ =	shalt  }
0x3e: {  	_ =	shalt  }
0x3f: {  	_ =	shalt  }
0x40: {  	_ =	shalt  }
0x41: {  	_ =	shalt  }
0x42: {  	_ =	shalt  }
0x43: {  	_ =	shalt  }
0x44: {  	_ =	shalt  }
0x45: {  	_ =	shalt  }
0x46: {  	_ =	shalt  }
0x47: {  	_ =	shalt  }
0x48: {  	_ =	shalt  }
0x49: {  	_ =	shalt  }
0x4a: {  	_ =	shalt  }
0x4b: {  	_ =	shalt  }
0x4c: {  	_ =	shalt  }
0x4d: {  	_ =	shalt  }
0x4e: {  	_ =	shalt  }
0x4f: {  	_ =	shalt  }
0x50: {  	_ =	shalt  }
0x51: {  	_ =	shalt  }
0x52: {  	_ =	shalt  }
0x53: {  	_ =	shalt  }
0x54: {  	_ =	shalt  }
0x55: {  	_ =	shalt  }
0x56: {  	_ =	shalt  }
0x57: {  	_ =	shalt  }
0x58: {  	_ =	shalt  }
0x59: {  	_ =	shalt  }
0x5a: {  	_ =	shalt  }
0x5b: {  	_ =	shalt  }
0x5c: {  	_ =	shalt  }
0x5d: {  	_ =	shalt  }
0x5e: {  	_ =	shalt  }
0x5f: {  	_ =	shalt  }
0x60: {  	_ =	shalt  }
0x61: {  	_ =	shalt  }
0x62: {  	_ =	shalt  }
0x63: {  	_ =	shalt  }
0x64: {  	_ =	shalt  }
0x65: {  	_ =	shalt  }
0x66: {  	_ =	shalt  }
0x67: {  	_ =	shalt  }
0x68: {  	_ =	shalt  }
0x69: {  	_ =	shalt  }
0x6a: {  	_ =	shalt  }
0x6b: {  	_ =	shalt  }
0x6c: {  	_ =	shalt  }
0x6d: {  	_ =	shalt  }
0x6e: {  	_ =	shalt  }
0x6f: {  	_ =	shalt  }
0x70: {  	_ =	shalt  }
0x71: {  	_ =	shalt  }
0x72: {  	_ =	shalt  }
0x73: {  	_ =	shalt  }
0x74: {  	_ =	shalt  }
0x75: {  	_ =	shalt  }
0x76: {  	_ =	shalt  }
0x77: {  	_ =	shalt  }
0x78: {  	_ =	shalt  }
0x79: {  	_ =	shalt  }
0x7a: {  	_ =	shalt  }
0x7b: {  	_ =	shalt  }
0x7c: {  	_ =	shalt  }
0x7d: {  	_ =	shalt  }
0x7e: {  	_ =	shalt  }
0x7f: {  	_ =	shalt  }
0x80: {  	_ =	shalt  }
0x81: {  	_ =	shalt  }
0x82: {  	_ =	shalt  }
0x83: {  	_ =	shalt  }
0x84: {  	_ =	shalt  }
0x85: {  	_ =	shalt  }
0x86: {  	_ =	shalt  }
0x87: {  	_ =	shalt  }
.Lfunc_end0:
.L_simem_size_0:
called_computation.1_lowered:
.L_overlay_start_0:
0x88: {  	s2 =	sld [smem:$0x3FD9]  }
0x89: {  	s3 =	sld [smem:$0x3FFE];
	_ =	sdelay $0x1  }
0x8a: {  	s1 =	srdreg.scid  }
0x8b: {  	s0 =	sand.u32 $0x1, s1  }
0x8c: {  	s16 =	sshll.u32 s0, $0xA;
	s2 =	sadd.s32 s3, s2  }
0x8d: {  	s2 =	sadd.s32 s2, s16  }
0x8e: {  	[smem:$0x3FC2] =	sst s2  }
0x8f: {  	_ = 	snop  }
0x90: {  	(tm) =	ssettm $0x1  }
0x91: {  	s17 =	sld [smem:$0x3FFB];
	_ =	sdelay $0x3  }
0x92: {  	_ =	strace s17  }
0x93: {  	s2 =	sld [smem:$0x3FFC];
	_ =	sdelay $0x3  }
0x94: {  	_ =	strace s2  }
0x95: {  	s2 =	sld [smem:$0x3FFD];
	_ =	sdelay $0x3  }
0x96: {  	_ =	strace s2  }
0x97: {  	_ =	strace $0x8FFFFFFF  }
0x98: {  	s18 =	sld [smem:$0x3FDB];
	_ =	sdelay $0x1  }
0x99: {  	s19 =	simm.s32 $_scs_section_size  }
0x9a: {  	s4 =	simm.s32 $_size__tile_overlayer_lowered;
	s5 =	simm.s32 $_tile_overlayer_lowered  }
0x9b: {  	s22 =	simm.s32 $0x1BFF;
	s21 =	sshll.u32 s5, $0x1;
	s2 =	sadd.s32 s19, s18  }
0x9c: {  	s6 =	simm.s32 $0x0;
	s20 =	sshll.u32 s4, $0x1;
	s4 =	sadd.s32 s21, s2  }
0x9d: {  	[timem:s6], [sflag:s22] =	dma.local [hbm:s4], s20  }
0x9e: {  	_ =	swait.ge [sflag:s22], s20  }
0x9f: {  	s3 =	ssub.s32 $0x0, s20;
	[sflag:s22] =	ssyncset.done $0x0  }
0xa0: {  	[sflag:s22] =	ssyncadd.s32 s3;
	_ =	sdelay $0x1  }
0xa1: {  	s23 =	simm.s32 $0x1B8B  }
0xa2: {  	_ =	swait.ge [sflag:s23], $0x1  }
0xa3: {  	[sflag:s23] =	ssyncset.done $0x0  }
0xa4: {  	s25 =	simm.s32 $0x1B8E;
	s24 =	sld [smem:$0x3FFE];
	[sflag:s23] =	ssyncadd.s32 $0xFFFFFFFF  }
0xa5: {  	s26 =	simm.s32 $execute0_lowered;
	[smem:$0x3FD2] =	sst s25  }
0xa6: {  	s4 =	sshll.u32 s26, $0x1;
	_ =	strace $0x80000049;
	[dreg:$0x1] =	wrdreg $0xFFFFFFFF  }
0xa7: {  	s28 =	simm.s32 $_size_execute0_lowered;
	s2 =	sadd.s32 s2, s4;
	[dreg:$0x0] =	wrdreg $0x0  }
0xa8: {  	s4 =	sshll.u32 s28, $0x1;
	[dreg:$0x2] =	wrdreg s2  }
0xa9: {  	[dreg:$0x3] =	wrdreg s4  }
0xaa: {  	[dreg:$0x4] =	wrdreg $0xC0  }
0xab: {  	_ =	task [dreg:s6], $0x5FFFF  }
0xac: {  	[dreg:$0x1] =	wrdreg $0xFFFFFFFF  }
0xad: {  	[dreg:$0x0] =	wrdreg $0x60  }
0xae: {  	[dreg:$0x2] =	wrdreg s24  }
0xaf: {  	[dreg:$0x3] =	wrdreg $0x82000  }
0xb0: {  	[dreg:$0x4] =	wrdreg $0x84800  }
0xb1: {  	[dreg:$0x5] =	wrdreg $0x9  }
0xb2: {  	_ =	task.clear_ibuf [dreg:s6], $0x6FFFF;
	_ =	strace $0x90000049  }
0xb3: {  	s29 =	simm.s32 $0x9;
	_ =	strace $0x8000004B  }
0xb4: {  	_ =	swait.ge [sflag:s29], $0x1  }
0xb5: {  	[sflag:s29] =	ssyncadd.s32 $0xFFFFFFFF  }
0xb6: {  	_ =	strace $0x9000004B  }
0xb7: {  	_ =	sfence  }
0xb8: {  	s30 =	sld [smem:$0x0];
	_ =	sdelay $0x2  }
0xb9: {  	s31 =	sshll.u32 s1, $0xD;
	s1 =	sshrl.u32 s1, $0x2  }
0xba: {  	s3 =	sand.u32 $0x4000, s31;
	s1 =	sadd.s32 s1, s30  }
0xbb: {  	s0 =	sor.u32 s3, s0;
	s1 =	sshll.u32 s1, $0x11  }
0xbc: {  	s0 =	sor.u32 s1, s0  }
0xbd: {  	s0 =	sadd.s32 $0x8F2B, s0  }
0xbe: {  	[sflag:s0] =	ssyncadd.remote.s32 $0x1  }
0xbf: {  	_ =	sfence.sel $0xFFFF  }
0xc0: {  	[dreg:$0x0] =	wrdreg $0xFFFFFFFF;
	(pc) =	sbr.abs _section_cstart, $3  }
0xc1: {  	[dreg:$0x1] =	wrdreg $0xFFFFFFFF  }
0xc2: {  	_ =	task.clear_ibuf [dreg:s6], $0x2FFFF;
	_ =	strace $0x9FFFFFFF  }
0xc3: {  	(tm) =	ssettm $0x7FFFFFFF  }
tec
execute0_lowered:
.L_overlay_start_1:
0x0: {  	(tag) =	ssettag $0x1  }
0x1: {  	s0 =	rddreg [dreg:$0x0]  }
0x2: {  	s2 =	rddreg [dreg:$0x1]  }
0x3: {  	s3 =	rddreg [dreg:$0x2];
	s4 =	simm.s32 $0x0  }
0x4: {  	s7 =	stileid.u32;
	s1 =	srdreg.scid;
	s15 =	simm.s32 $0x1400  }
0x5: {  	s16 =	simm.s32 $0x2800;
	s17 =	simm.s32 $0x3C00;
	s21 =	simm.s32 $0x4  }
0x6: {  	s22 =	simm.s32 $0x2;
	s24 =	simm.s32 $0x1;
	s28 =	simm.s32 $0x3  }
0x7: {  	s29 =	simm.s32 $0x6400;
	s30 =	simm.s32 $0x0;
	[smem:$0x7FF] =	sst s4  }
0x8: {  	s12 =	smul.u32 $0x280, s7;
	s1 =	sand.u32 $0x1, s1;
	s8 =	sadd.s32 $0x2200, s0  }
0x9: {  	s7 =	sshll.u32 s7, $0x1;
	_ =	strace $0x8000004A;
	s5 =	smul.u32 $0x2800, s1  }
0xa: {  	s9 =	ssub.s32 $0x2, s1;
	s1 =	sor.u32 s1, s7;
	s6 =	sshrl.u32 s12, $0x3  }
0xb: {  	s25 =	sshrl.u32 s9, $0x1;
	s1 =	smul.u32 $0x2710, s1;
	s11 =	sadd.s32 s12, s2  }
0xc: {  	s5 =	sadd.s32 s12, s5;
	s10 =	sadd.s32 s6, s0;
	s14 =	ssub.s32 s9, s25  }
0xd: {  	s12 =	sadd.s32 s12, s3;
	s25 =	simm.s32 $0x1388;
	s5 =	sshrl.u32 s5, $0x3  }
0xe: {  	s26 =	sshrl.u32 s1, $0x3;
	s31 =	sadd.s32 $0x1388, s1;
	s1 =	sadd.s32 $0x4F588, s1  }
0xf: {  	s9 =	sadd.s32 $0x15C00, s10;
	s10 =	sadd.s32 $0x16100, s10;
	s14 =	smax.u32 s14, $0x1  }
0x10: {  	s0 =	sadd.s32 s5, s0;
	s5 =	sadd.s32 s8, s26;
	s6 =	sshrl.u32 s31, $0x3  }
0x11: {  	s1 =	sshrl.u32 s1, $0x3;
	s26 =	simm.s32 $0x5000;
	s6 =	sadd.s32 s8, s6  }
0x12: {  	v0 =	vimm.f32 $0.0e+00;
	s7 =	sadd.s32 $0x9C40, s5;
	s8 =	sadd.s32 s8, s1;
	s13 =	sadd.s32 $0x16600, s0  }
.LBB2_1:
0x13: {  	[tilespmem:s4], [sflag:$0x1] =	stream.linear.gather [hbm4b:s5+s4], $0x1388, $0x38;
	[tilespmem:$0x8700] =	vst v63  }
0x14: {  	_ = 	snop  }
0x15: {  	[tilespmem:s15], [sflag:$0x1] =	stream.linear.gather [hbm4b:s6+s4], $0x1388, $0x38;
	[tilespmem:$0x8700] =	vst v63  }
0x16: {  	_ = 	snop  }
0x17: {  	[tilespmem:s16], [sflag:$0x1] =	stream.linear.gather [hbm4b:s7+s4], $0x1388, $0x38;
	[tilespmem:$0x8700] =	vst v63  }
0x18: {  	_ = 	snop  }
0x19: {  	[tilespmem:s17], [sflag:$0x1] =	stream.linear.gather [hbm4b:s8+s4], $0x1388, $0x38;
	[tilespmem:$0x8700] =	vst v63  }
0x1a: {  	s0 =	simm.s32 $0x7800  }
0x1b: {  	[tilespmem:s0], [sflag:$0x2] =	stream.linear.gather [hbm4b:s9+s4], $0x280, $0x38;
	[tilespmem:$0x8700] =	vst v63  }
0x1c: {  	s20 =	simm.s32 $0x7A80  }
0x1d: {  	[tilespmem:s20], [sflag:$0x2] =	stream.linear.gather [hbm4b:s10+s4], $0x280, $0x38;
	[tilespmem:$0x8700] =	vst v63  }
0x1e: {  	[tilespmem:$0x7F80] =	vst v0  }
0x1f: {  	[tilespmem:$0x7F90] =	vst v0  }
0x20: {  	[tilespmem:$0x7FA0] =	vst v0  }
0x21: {  	[tilespmem:$0x7FB0] =	vst v0  }
0x22: {  	[tilespmem:$0x7FC0] =	vst v0  }
0x23: {  	[tilespmem:$0x7FD0] =	vst v0  }
0x24: {  	[tilespmem:$0x7FE0] =	vst v0  }
0x25: {  	[tilespmem:$0x7FF0] =	vst v0  }
0x26: {  	[tilespmem:$0x8000] =	vst v0  }
0x27: {  	[tilespmem:$0x8010] =	vst v0  }
0x28: {  	[tilespmem:$0x8020] =	vst v0  }
0x29: {  	[tilespmem:$0x8030] =	vst v0  }
0x2a: {  	[tilespmem:$0x8040] =	vst v0  }
0x2b: {  	[tilespmem:$0x8050] =	vst v0  }
0x2c: {  	[tilespmem:$0x8060] =	vst v0  }
0x2d: {  	[tilespmem:$0x8070] =	vst v0  }
0x2e: {  	[tilespmem:$0x8080] =	vst v0  }
0x2f: {  	[tilespmem:$0x8090] =	vst v0  }
0x30: {  	[tilespmem:$0x80A0] =	vst v0  }
0x31: {  	[tilespmem:$0x80B0] =	vst v0  }
0x32: {  	[tilespmem:$0x80C0] =	vst v0  }
0x33: {  	[tilespmem:$0x80D0] =	vst v0  }
0x34: {  	[tilespmem:$0x80E0] =	vst v0  }
0x35: {  	[tilespmem:$0x80F0] =	vst v0  }
0x36: {  	[tilespmem:$0x8100] =	vst v0  }
0x37: {  	[tilespmem:$0x8110] =	vst v0  }
0x38: {  	[tilespmem:$0x8120] =	vst v0  }
0x39: {  	[tilespmem:$0x8130] =	vst v0  }
0x3a: {  	[tilespmem:$0x8140] =	vst v0  }
0x3b: {  	[tilespmem:$0x8150] =	vst v0  }
0x3c: {  	[tilespmem:$0x8160] =	vst v0  }
0x3d: {  	[tilespmem:$0x8170] =	vst v0  }
0x3e: {  	[tilespmem:$0x8180] =	vst v0  }
0x3f: {  	[tilespmem:$0x8190] =	vst v0  }
0x40: {  	[tilespmem:$0x81A0] =	vst v0  }
0x41: {  	[tilespmem:$0x81B0] =	vst v0  }
0x42: {  	[tilespmem:$0x81C0] =	vst v0  }
0x43: {  	[tilespmem:$0x81D0] =	vst v0  }
0x44: {  	[tilespmem:$0x81E0] =	vst v0  }
0x45: {  	s23 =	simm.s32 $0x7F80;
	[tilespmem:$0x81F0] =	vst v0  }
0x46: {  	[spmem:s11] =	stream.linear.scatter [tilespmem:s23], [sflag:$0x4], $0x280, $0x38;
	[tilespmem:$0x8700] =	vst v63  }
0x47: {  	_ =	swait.ge [sflag:s21], $0x280  }
0x48: {  	[sflag:s21] =	ssyncset.done $0x0  }
0x49: {  	[sflag:s21] =	ssyncadd.s32 $0xFFFFFD80  }
0x4a: {  	_ =	swait.ge [sflag:s22], $0x280  }
0x4b: {  	[sflag:s22] =	ssyncset.done $0x0  }
0x4c: {  	[sflag:s22] =	ssyncadd.s32 $0xFFFFFD80  }
0x4d: {  	_ =	swait.ge [sflag:s22], $0x280  }
0x4e: {  	[sflag:s22] =	ssyncset.done $0x0  }
0x4f: {  	s0 =	simm.s32 $0x0;
	[sflag:s22] =	ssyncadd.s32 $0xFFFFFD80  }
0x50: {  	v1 =	vld [tilespmem:s0+$0x7800]  }
0x51: {  	v2 =	vld [tilespmem:s0+$0x7A80];
	_ =	sdelay $0x4  }
0x52: {  	s31 =	simm.s32 $0x10;
	v10 =	vadd.f32 v2, v1  }
0x53: {  	v1 =	vld [tilespmem:s31+$0x7800]  }
0x54: {  	v2 =	vld [tilespmem:s31+$0x7A80];
	v3 =	vmax.f32 v10, $1.000000000e+00  }
0x55: {  	v4 =	vshrl.u32 v3, $0x1;
	v5 =	vmul.f32 $5.000000000e-01, v3  }
0x56: {  	v3 =	vsub.s32 $0x5F3759DF, v4  }
0x57: {  	v4 =	vmul.f32 v3, v5;
	_ =	sdelay $0x1  }
0x58: {  	s1 =	simm.s32 $0x20;
	v2 =	vadd.f32 v2, v1;
	v1 =	vmul.f32 v3, v4  }
0x59: {  	v6 =	vld [tilespmem:s1+$0x7A80]  }
0x5a: {  	v4 =	vld [tilespmem:s1+$0x7800];
	v7 =	vmax.f32 v2, $1.000000000e+00;
	v1 =	vsub.f32 $1.500000000e+00, v1  }
0x5b: {  	v8 =	vshrl.u32 v7, $0x1;
	v11 =	vmul.f32 $5.000000000e-01, v7  }
0x5c: {  	v7 =	vsub.s32 $0x5F3759DF, v8;
	v3 =	vmul.f32 v3, v1  }
0x5d: {  	v8 =	vmul.f32 v7, v11  }
0x5e: {  	v9 =	vmul.f32 v3, v5  }
0x5f: {  	s18 =	simm.s32 $0x30;
	v1 =	vadd.f32 v6, v4;
	v4 =	vmul.f32 v7, v8  }
0x60: {  	v6 =	vld [tilespmem:s18+$0x7800];
	v8 =	vmul.f32 v9, v3  }
0x61: {  	v12 =	vmax.f32 v1, $1.000000000e+00;
	v13 =	vsub.f32 $1.500000000e+00, v4;
	v9 =	vld [tilespmem:s18+$0x7A80]  }
0x62: {  	v14 =	vshrl.u32 v12, $0x1;
	v4 =	vmul.f32 $5.000000000e-01, v12;
	v8 =	vsub.f32 $1.500000000e+00, v8  }
0x63: {  	v12 =	vsub.s32 $0x5F3759DF, v14;
	v7 =	vmul.f32 v7, v13  }
0x64: {  	v13 =	vmul.f32 v12, v4;
	v14 =	vmul.f32 v8, v3  }
0x65: {  	v8 =	vmul.f32 v7, v11  }
0x66: {  	s19 =	simm.s32 $0x40;
	v3 =	vadd.f32 v9, v6;
	v6 =	vmul.f32 v12, v13;
	v5 =	vmul.f32 v14, v5  }
0x67: {  	v15 =	vld [tilespmem:s19+$0x7A80];
	v8 =	vmul.f32 v8, v7  }
0x68: {  	v13 =	vld [tilespmem:s19+$0x7800];
	v9 =	vmax.f32 v3, $1.000000000e+00;
	v6 =	vsub.f32 $1.500000000e+00, v6;
	v16 =	vmul.f32 v5, v14  }
0x69: {  	v17 =	vshrl.u32 v9, $0x1;
	v5 =	vmul.f32 $5.000000000e-01, v9;
	v18 =	vsub.f32 $1.500000000e+00, v8  }
0x6a: {  	v9 =	vsub.s32 $0x5F3759DF, v17;
	v8 =	vmul.f32 v12, v6;
	v6 =	vsub.f32 $1.500000000e+00, v16  }
0x6b: {  	v16 =	vmul.f32 v9, v5;
	v7 =	vmul.f32 v18, v7  }
0x6c: {  	s20 =	simm.s32 $0x50;
	vm0 =	vgt.f32 v10, $5.000000000e-01;
	v17 =	vmul.f32 v8, v4;
	v63 =	vmul.f32 v6, v14  }
0x6d: {  	v12 =	vld [tilespmem:s20+$0x7800];
	v6 =	vadd.f32 v15, v13;
	v15 =	vmul.f32 v9, v16;
	v11 =	vmul.f32 v7, v11  }
0x6e: {  	s23 =	simm.s32 $0x180;
	v14 =	vld [tilespmem:s20+$0x7A80];
	v13 =	vmul.f32 v17, v8;
	v10 =	vnsel vm0, $0x0, v63  }
.LBB2_2:
0x6f: {  	p0 =	sne.s32 s23, $0x9C0;
	v16 =	vmax.f32 v6, $1.000000000e+00;
	v15 =	vsub.f32 $1.500000000e+00, v15;
	v11 =	vmul.f32 v11, v7;
	[tilespmem:s0+$0x7D00] =	vst v10;
	v17 =	vmovc v3;
	v3 =	vmovc v6;
	s0 =	smov.u32 s31;
	s31 =	smov.u32 s1  }
0x70: {  	s1 =	smov.u32 s18;
	s18 =	smov.u32 s19;
	s19 =	smov.u32 s20;
	v6 =	vshrl.u32 v16, $0x1;
	v10 =	vmul.f32 $5.000000000e-01, v16;
	v13 =	vsub.f32 $1.500000000e+00, v13  }
.Ltmp0:
0x71: {  	v15 =	vmul.f32 v9, v15;
	v9 =	vsub.s32 $0x5F3759DF, v6;
	v11 =	vsub.f32 $1.500000000e+00, v11;
	(pc) =	sbr.rel @p0 .LBB2_2-.Ltmp0, $4  }
0x72: {  	v16 =	vmul.f32 v9, v10;
	v18 =	vmul.f32 v13, v8  }
0x73: {  	s20 =	sshra.s32 s23, $0x2;
	v6 =	vadd.f32 v14, v12;
	v13 =	vmul.f32 v15, v5;
	v19 =	vmul.f32 v11, v7;
	v8 =	vmovc v15  }
0x74: {  	vm0 =	vgt.f32 v2, $5.000000000e-01;
	v12 =	vld [tilespmem:s20+$0x7800];
	v15 =	vmul.f32 v9, v16;
	v11 =	vmul.f32 v18, v4;
	v4 =	vmovc v5;
	v5 =	vmovc v10  }
0x75: {  	s23 =	sadd.s32 $0x40, s23;
	v2 =	vmovc v1;
	v1 =	vmovc v17;
	v7 =	vmov v18;
	v14 =	vld [tilespmem:s20+$0x7A80];
	v13 =	vmul.f32 v13, v8;
	v10 =	vnsel vm0, $0x0, v19  }
0x76: {  	_ =	sdelay $0x3  }
0x77: {  	v12 =	vadd.f32 v14, v12  }
0x78: {  	v16 =	vmax.f32 v6, $1.000000000e+00  }
0x79: {  	v49 =	vshrl.u32 v16, $0x1;
	v16 =	vmul.f32 $5.000000000e-01, v16;
	v17 =	vmax.f32 v12, $1.000000000e+00  }
0x7a: {  	v14 =	vsub.s32 $0x5F3759DF, v49;
	v19 =	vshrl.u32 v17, $0x1;
	v17 =	vmul.f32 $5.000000000e-01, v17  }
0x7b: {  	v18 =	vmul.f32 v14, v16;
	v19 =	vsub.s32 $0x5F3759DF, v19  }
0x7c: {  	v20 =	vmul.f32 v19, v17  }
0x7d: {  	v18 =	vmul.f32 v14, v18  }
0x7e: {  	v15 =	vsub.f32 $1.500000000e+00, v15;
	v20 =	vmul.f32 v19, v20  }
0x7f: {  	v18 =	vsub.f32 $1.500000000e+00, v18  }
0x80: {  	v9 =	vmul.f32 v9, v15;
	v50 =	vsub.f32 $1.500000000e+00, v20  }
0x81: {  	v14 =	vmul.f32 v14, v18  }
0x82: {  	v51 =	vmul.f32 v9, v5;
	v15 =	vmul.f32 v19, v50  }
0x83: {  	v52 =	vmul.f32 v14, v16  }
0x84: {  	v18 =	vmul.f32 v51, v9;
	v54 =	vmul.f32 v15, v17  }
0x85: {  	v13 =	vsub.f32 $1.500000000e+00, v13;
	v53 =	vmul.f32 v52, v14  }
0x86: {  	v18 =	vsub.f32 $1.500000000e+00, v18;
	v20 =	vmul.f32 v54, v15  }
0x87: {  	v8 =	vmul.f32 v13, v8;
	v19 =	vsub.f32 $1.500000000e+00, v53  }
0x88: {  	v11 =	vmul.f32 v11, v7;
	v9 =	vmul.f32 v18, v9;
	v56 =	vsub.f32 $1.500000000e+00, v20  }
0x89: {  	v4 =	vmul.f32 v8, v4;
	v55 =	vmul.f32 v19, v14  }
0x8a: {  	v57 =	vmul.f32 v9, v5;
	v14 =	vmul.f32 v56, v15  }
0x8b: {  	v4 =	vmul.f32 v4, v8;
	v58 =	vmul.f32 v55, v16  }
0x8c: {  	v11 =	vsub.f32 $1.500000000e+00, v11;
	v5 =	vmul.f32 v57, v9;
	v59 =	vmul.f32 v14, v17  }
0x8d: {  	vm0 =	vgt.f32 v2, $5.000000000e-01;
	v4 =	vsub.f32 $1.500000000e+00, v4;
	v61 =	vmul.f32 v58, v55  }
0x8e: {  	v60 =	vmul.f32 v11, v7;
	v2 =	vsub.f32 $1.500000000e+00, v5;
	v62 =	vmul.f32 v59, v14  }
0x8f: {  	vm12 =	vgt.f32 v1, $5.000000000e-01;
	v4 =	vmul.f32 v4, v8;
	v63 =	vsub.f32 $1.500000000e+00, v61  }
0x90: {  	[tilespmem:s0+$0x7D00] =	vst v10;
	v7 =	vnsel vm0, $0x0, v60;
	v1 =	vmul.f32 v2, v9;
	v2 =	vsub.f32 $1.500000000e+00, v62  }
0x91: {  	vm13 =	vgt.f32 v3, $5.000000000e-01;
	[tilespmem:s31+$0x7D00] =	vst v7;
	v4 =	vnsel vm12, $0x0, v4;
	v3 =	vmul.f32 v63, v55  }
0x92: {  	vm14 =	vgt.f32 v6, $5.000000000e-01;
	[tilespmem:s1+$0x7D00] =	vst v4;
	v1 =	vnsel vm13, $0x0, v1;
	v2 =	vmul.f32 v2, v14  }
0x93: {  	vm15 =	vgt.f32 v12, $5.000000000e-01;
	[tilespmem:s18+$0x7D00] =	vst v1;
	v1 =	vnsel vm14, $0x0, v3  }
0x94: {  	[tilespmem:s19+$0x7D00] =	vst v1;
	v1 =	vnsel vm15, $0x0, v2  }
0x95: {  	[tilespmem:s20+$0x7D00] =	vst v1;
	s20 =	simm.s32 $0x7D00  }
0x96: {  	[spmem:s12] =	stream.linear.scatter [tilespmem:s20], [sflag:$0x4], $0x280, $0x38;
	[tilespmem:$0x8700] =	vst v63  }
0x97: {  	_ =	swait.ge [sflag:s21], $0x280  }
0x98: {  	[sflag:s21] =	ssyncset.done $0x0  }
0x99: {  	[sflag:s21] =	ssyncadd.s32 $0xFFFFFD80  }
0x9a: {  	_ =	swait.ge [sflag:s24], $0x1388  }
0x9b: {  	[sflag:s24] =	ssyncset.done $0x0  }
0x9c: {  	[sflag:s24] =	ssyncadd.s32 $0xFFFFEC78  }
0x9d: {  	_ =	swait.ge [sflag:s24], $0x1388  }
0x9e: {  	[sflag:s24] =	ssyncset.done $0x0  }
0x9f: {  	[sflag:s24] =	ssyncadd.s32 $0xFFFFEC78  }
0xa0: {  	_ =	swait.ge [sflag:s24], $0x1388  }
0xa1: {  	[sflag:s24] =	ssyncset.done $0x0  }
0xa2: {  	[sflag:s24] =	ssyncadd.s32 $0xFFFFEC78  }
0xa3: {  	_ =	swait.ge [sflag:s24], $0x1388  }
0xa4: {  	[sflag:s24] =	ssyncset.done $0x0  }
0xa5: {  	[sflag:s24] =	ssyncadd.s32 $0xFFFFEC78  }
0xa6: {  	[bflag:$0x0] =	sbarrier.arrive $0xFFFF  }
0xa7: {  	[tilespmem:s26], [sflag:$0x3] =	stream.indirect.gather [spmem:s3], $0x1, s16, s25, $0xb8;
	[tilespmem:$0x8700] =	vst v63  }
0xa8: {  	_ =	swait.ge [sflag:s28], $0x1388  }
0xa9: {  	[sflag:s28] =	ssyncset.done $0x0  }
0xaa: {  	[sflag:s28] =	ssyncadd.s32 $0xFFFFEC78  }
0xab: {  	[tilespmem:s29], [sflag:$0x3] =	stream.indirect.gather [spmem:s3], $0x1, s17, s25, $0xb8;
	[tilespmem:$0x8700] =	vst v63  }
0xac: {  	_ = 	snop  }
0xad: {  	[spmem:s2] =	stream.indirect.scatter.add.f32 [tilespmem:s26], [sflag:$0x4], $0x1, s4, s25, $0xb8;
	[tilespmem:$0x8700] =	vst v63  }
0xae: {  	_ =	swait.ge [sflag:s21], $0x1388  }
0xaf: {  	[sflag:s21] =	ssyncset.done $0x0  }
0xb0: {  	[sflag:s21] =	ssyncadd.s32 $0xFFFFEC78  }
0xb1: {  	_ =	swait.ge [sflag:s28], $0x1388  }
0xb2: {  	[sflag:s28] =	ssyncset.done $0x0  }
0xb3: {  	[sflag:s28] =	ssyncadd.s32 $0xFFFFEC78  }
0xb4: {  	[spmem:s2] =	stream.indirect.scatter.add.f32 [tilespmem:s29], [sflag:$0x4], $0x1, s15, s25, $0xb8;
	[tilespmem:$0x8700] =	vst v63  }
0xb5: {  	s23 =	stileid.u32;
	_ =	swait.ge [sflag:s21], $0x1388  }
0xb6: {  	s30 =	sadd.s32 $0x1, s30;
	s0 =	sshll.u32 s23, $0x6;
	[sflag:s21] =	ssyncset.done $0x0  }
0xb7: {  	p0 =	sne.s32 s30, s14;
	s0 =	sor.u32 $0x1C04, s0;
	[sflag:s21] =	ssyncadd.s32 $0xFFFFEC78  }
.Ltmp1:
0xb8: {  	s31 =	sshrl.u32 s11, $0x3;
	[bflag:$0x0] =	sbarrier.arrive $0xFFFF;
	(pc) =	sbr.rel @p0 .LBB2_1-.Ltmp1, $4  }
0xb9: {  	[hbm:s13], [sflag:s0] =	dma.local [spmem:s31], $0x50  }
0xba: {  	_ =	swait.ge [sflag:s21], $0x50  }
0xbb: {  	[sflag:s21] =	ssyncset.done $0x0  }
0xbc: {  	[sflag:s21] =	ssyncadd.s32 $0xFFFFFFB0  }
0xbd: {  	_ =	sfence.sel $0x180000  }
0xbe: {  	[bflag:$0x0] =	sbarrier.arrive $0xFFFF  }
0xbf: {  	_ =	strace $0x9000004A  }
0xc0: {  	s0 =	stileid.u32;
	[bflag:$0x2] =	sbarrier.arrive $0xFFFF  }
0xc1: {  	p0 =	sne.s32 s0, $0x0;
	s0 =	rddreg [dreg:$0x3]  }
0xc2: {  	s0 =	sadd.s32 @!p0 $0x100000, s0  }
0xc3: {  	[sflag:s0] =	ssyncadd.tile.s32 @!p0 $0x1;
	_ =	shalt  }
.Lfunc_end2:
_tile_overlayer_lowered:
.L_overlay_start_2:
0xc4: {  	(tag) =	ssettag $0x2  }
0xc5: {  	s0 =	rddreg [dreg:$0x0];
	s2 =	stileid.u32  }
0xc6: {  	s1 =	rddreg [dreg:$0x1];
	p0 =	sne.s32 s2, $0x0  }
0xc7: {  	s3 =	rddreg [dreg:$0x2];
	[bflag:$0x3] =	sbarrier.arrive $0xFFFF;
	s2 =	simm.s32 @!p0 $0x1C04  }
0xc8: {  	[timem:s3], [sflag:s2] =	dma.local @!p0 [hbm:s0], s1  }
0xc9: {  	s0 =	simm.s32 @!p0 $0x4  }
0xca: {  	_ =	swait.ge @!p0 [sflag:s0], s1  }
0xcb: {  	s1 =	ssub.s32 @!p0 $0x0, s1;
	[sflag:s0] =	ssyncset.done @!p0 $0x0  }
0xcc: {  	[sflag:s0] =	ssyncadd.s32 @!p0 s1  }
0xcd: {  	[bflag:$0x3] =	sbarrier.arrive $0xFFFF  }
0xce: {  	_ =	shalt  }

</sc_bundles>
